<compile_context>
chip_gen: v7x
topology: tpu7x:2x2x1
jax: 0.10.2.dev20260603
libtpu: 0.0.44.dev20260713+nightly
codegen_flags: <defaults>
</compile_context>

<pallas_src>
import jax
import jax.numpy as jnp
from jax import lax
from jax.experimental import pallas as pl
from jax.experimental.pallas import tpu as pltpu
from jax.experimental.pallas import tpu_sc as plsc

EMBED_DIM = 128
BATCH = 16384
VOCAB_ROWS = 1489
NUM_CORES = 2
NUM_SUBCORES = 16
NUM_WORKERS = NUM_CORES * NUM_SUBCORES
BPW = BATCH // NUM_WORKERS
CHUNK = 128
NCHUNK = BPW // CHUNK
TOTAL = 2 * NCHUNK
NBUF = 7


TROWS = 96


def _gather_body(table_hbm, ov_hbm, sc_hbm, out_ov, out_sc,
                 table_sh, idx_all, rows0, rows1, rows2, rows3, rows4, rows5, rows6,
                 isem, tsem, gsem0, gsem1, gsem2, gsem3, gsem4, gsem5, gsem6,
                 wsem0, wsem1, wsem2, wsem3, wsem4, wsem5, wsem6):
    sid = lax.axis_index("s")
    wid = sid * NUM_CORES + lax.axis_index("c")
    row0 = wid * NCHUNK
    base = wid * BPW

    row_bufs = (rows0, rows1, rows2, rows3, rows4, rows5, rows6)
    gsems = (gsem0, gsem1, gsem2, gsem3, gsem4, gsem5, gsem6)
    wsems = (wsem0, wsem1, wsem2, wsem3, wsem4, wsem5, wsem6)

    tail = sid == NUM_SUBCORES - 1

    @pl.when(jnp.logical_not(tail))
    def _stage_main():
        pltpu.async_copy(
            table_hbm.at[pl.ds(sid * TROWS, TROWS)],
            table_sh.at[pl.ds(sid * TROWS, TROWS)], tsem).wait()

    @pl.when(tail)
    def _stage_tail():
        pltpu.async_copy(
            table_hbm.at[pl.ds(15 * TROWS, VOCAB_ROWS - 15 * TROWS)],
            table_sh.at[pl.ds(15 * TROWS, VOCAB_ROWS - 15 * TROWS)],
            tsem).wait()

    cp_i0 = pltpu.async_copy(
        ov_hbm.at[pl.ds(row0, NCHUNK)], idx_all.at[pl.ds(0, NCHUNK)], isem)
    cp_i1 = pltpu.async_copy(
        sc_hbm.at[pl.ds(row0, NCHUNK)], idx_all.at[pl.ds(NCHUNK, NCHUNK)],
        isem)
    cp_i0.wait()
    cp_i1.wait()
    plsc.subcore_barrier()

    def out_ref(k):
        if k < NCHUNK:
            return out_ov.at[pl.ds(base + k * CHUNK, CHUNK)]
        return out_sc.at[pl.ds(base + (k - NCHUNK) * CHUNK, CHUNK)]

    gathers = [None] * NBUF
    writes = [None] * NBUF
    for k in range(TOTAL):
        slot = k % NBUF
        if writes[slot] is not None:
            writes[slot].wait()
        gathers[slot] = pltpu.async_copy(
            table_sh.at[idx_all.at[k]], row_bufs[slot], gsems[slot])
        if k >= NBUF - 1:
            pk = k - (NBUF - 1)
            pslot = pk % NBUF
            gathers[pslot].wait()
            writes[pslot] = pltpu.async_copy(
                row_bufs[pslot], out_ref(pk), wsems[pslot])
    for pk in range(max(0, TOTAL - (NBUF - 1)), TOTAL):
        pslot = pk % NBUF
        gathers[pslot].wait()
        writes[pslot] = pltpu.async_copy(
            row_bufs[pslot], out_ref(pk), wsems[pslot])
    for w in writes:
        if w is not None:
            w.wait()


@jax.jit
def kernel(overlap, scene, embed_table):
    ov = overlap.astype(jnp.int32).reshape(BATCH // CHUNK, CHUNK)
    sc = scene.astype(jnp.int32).reshape(BATCH // CHUNK, CHUNK)
    out_sds = jax.ShapeDtypeStruct((BATCH, EMBED_DIM), jnp.float32)
    run = pl.kernel(
        _gather_body,
        out_type=(out_sds, out_sds),
        mesh=plsc.VectorSubcoreMesh(core_axis_name="c", subcore_axis_name="s"),
        scratch_types=(
            [pltpu.VMEM_SHARED((VOCAB_ROWS, EMBED_DIM), jnp.float32)]
            + [pltpu.VMEM((TOTAL, CHUNK), jnp.int32)]
            + [pltpu.VMEM((CHUNK, EMBED_DIM), jnp.float32)] * NBUF
            + [pltpu.SemaphoreType.DMA] * (2 * NBUF + 2)
        ),
    )
    return run(embed_table, ov, sc)

# --- scband reference (transcript-rebuilt; emitter-appended) ---
"""Pipeline reference for scband-frequency-28132035789512 (READ-ONLY COPY).

The authoritative reference and input builder live on the scoring server;
editing this copy changes nothing except your own understanding.
"""

import jax, jax.numpy as jnp
import numpy as np

EMBED_DIM = 128
VOCAB = 1489
BATCH = 16384

def setup_inputs(seed: int = 0) -> dict:
    key = jax.random.key(seed)
    k1, k2, k3 = jax.random.split(key, 3)
    overlap = jax.random.randint(k1, (BATCH,), 0, VOCAB, dtype=jnp.int64)
    scene = jax.random.randint(k2, (BATCH,), 0, VOCAB, dtype=jnp.int64)
    embed_table = jax.random.normal(k3, (VOCAB, EMBED_DIM), dtype=jnp.float32)
    return {"overlap": overlap, "scene": scene, "embed_table": embed_table}

def reference(overlap, scene, embed_table):
    # Faithful translation of Frequency.forward: two embedding lookups
    # on the shared table. fc_o/fc_s exist in __init__ but are unused
    # in forward, so they are not applied here.
    overlap_emb = jnp.take(embed_table, overlap.astype(jnp.int32), axis=0)
    scene_emb = jnp.take(embed_table, scene.astype(jnp.int32), axis=0)
    return (overlap_emb, scene_emb)

if __name__ == "__main__":
    import jax
    _d = setup_inputs()
    print(jax.jit(kernel)(*tuple(_d.values())))

</pallas_src>

<mosaic_0001>
#map = affine_map<(d0, d1) -> (0, 0)>
module attributes {stable_mosaic.version = 14 : i64} {
  func.func @_gather_body(%arg0: i32, %arg1: i32, %arg2: memref<1489x128xf32, #tpu.memory_space<hbm>>, %arg3: memref<128x128xi32, #tpu.memory_space<hbm>>, %arg4: memref<128x128xi32, #tpu.memory_space<hbm>>, %arg5: memref<16384x128xf32, #tpu.memory_space<hbm>>, %arg6: memref<16384x128xf32, #tpu.memory_space<hbm>>, %arg7: memref<1489x128xf32, #tpu.memory_space<vmem_shared>>, %arg8: memref<8x128xi32, #tpu.memory_space<vmem>>, %arg9: memref<128x128xf32, #tpu.memory_space<vmem>>, %arg10: memref<128x128xf32, #tpu.memory_space<vmem>>, %arg11: memref<128x128xf32, #tpu.memory_space<vmem>>, %arg12: memref<128x128xf32, #tpu.memory_space<vmem>>, %arg13: memref<128x128xf32, #tpu.memory_space<vmem>>, %arg14: memref<128x128xf32, #tpu.memory_space<vmem>>, %arg15: memref<128x128xf32, #tpu.memory_space<vmem>>, %arg16: memref<!tpu.dma_semaphore, #tpu.memory_space<semaphore_mem>>, %arg17: memref<!tpu.dma_semaphore, #tpu.memory_space<semaphore_mem>>, %arg18: memref<!tpu.dma_semaphore, #tpu.memory_space<semaphore_mem>>, %arg19: memref<!tpu.dma_semaphore, #tpu.memory_space<semaphore_mem>>, %arg20: memref<!tpu.dma_semaphore, #tpu.memory_space<semaphore_mem>>, %arg21: memref<!tpu.dma_semaphore, #tpu.memory_space<semaphore_mem>>, %arg22: memref<!tpu.dma_semaphore, #tpu.memory_space<semaphore_mem>>, %arg23: memref<!tpu.dma_semaphore, #tpu.memory_space<semaphore_mem>>, %arg24: memref<!tpu.dma_semaphore, #tpu.memory_space<semaphore_mem>>, %arg25: memref<!tpu.dma_semaphore, #tpu.memory_space<semaphore_mem>>, %arg26: memref<!tpu.dma_semaphore, #tpu.memory_space<semaphore_mem>>, %arg27: memref<!tpu.dma_semaphore, #tpu.memory_space<semaphore_mem>>, %arg28: memref<!tpu.dma_semaphore, #tpu.memory_space<semaphore_mem>>, %arg29: memref<!tpu.dma_semaphore, #tpu.memory_space<semaphore_mem>>, %arg30: memref<!tpu.dma_semaphore, #tpu.memory_space<semaphore_mem>>, %arg31: memref<!tpu.dma_semaphore, #tpu.memory_space<semaphore_mem>>) attributes {dimension_semantics = [#tpu.dimension_semantics<core_parallel>, #tpu.dimension_semantics<subcore_parallel>], iteration_bounds = array<i64: 2, 16>, scalar_prefetch = 0 : i64, scratch_operands = 25 : i64, tpu.core_type = #tpu.core_type<sc_vector_subcore>, window_params = [{transform_indices = #map}, {transform_indices = #map}, {transform_indices = #map}, {transform_indices = #map}, {transform_indices = #map}]} {
    %mul3A = arith.constant 2 : i32
    %mul3A_0 = arith.muli %arg1, %mul3A : i32
    %add3A = arith.addi %mul3A_0, %arg0 : i32
    %mul3A_1 = arith.constant 4 : i32
    %mul3A_2 = arith.muli %add3A, %mul3A_1 : i32
    %mul3A_3 = arith.constant 512 : i32
    %mul3A_4 = arith.muli %add3A, %mul3A_3 : i32
    %eq3A = arith.constant 15 : i32
    %eq3A_5 = arith.cmpi eq, %arg1, %eq3A : i32
    %not3A = arith.constant true
    %not3A_6 = arith.xori %eq3A_5, %not3A : i1
    %convert_element_type3A = arith.extui %not3A_6 : i1 to i32
    %cond3A = arith.constant 0 : i32
    %cond3A_7 = arith.cmpi ne, %convert_element_type3A, %cond3A : i32
    scf.if %cond3A_7 {
      %mul3A_241 = arith.constant 96 : i32
      %mul3A_242 = arith.muli %arg1, %mul3A_241 : i32
      %mul3A_243 = arith.constant 96 : i32
      %mul3A_244 = arith.muli %arg1, %mul3A_243 : i32
      %dma_start3A_245 = arith.constant 0 : i32
      %dma_start3A_246 = tpu.memref_slice %arg7[%mul3A_244, %dma_start3A_245] : memref<1489x128xf32, #tpu.memory_space<vmem_shared>> -> memref<96x128xf32, #tpu.memory_space<vmem_shared>>
      %dma_start3A_247 = arith.constant 0 : i32
      %dma_start3A_248 = tpu.memref_slice %arg2[%mul3A_242, %dma_start3A_247] : memref<1489x128xf32, #tpu.memory_space<hbm>> -> memref<96x128xf32, #tpu.memory_space<hbm>>
      tpu.enqueue_dma source(%dma_start3A_248 : memref<96x128xf32, #tpu.memory_space<hbm>>) target(%dma_start3A_246 : memref<96x128xf32, #tpu.memory_space<vmem_shared>>) target_semaphore(%arg17 : memref<!tpu.dma_semaphore, #tpu.memory_space<semaphore_mem>>)
      %dma_wait3A_249 = arith.constant 0 : i32
      %dma_wait3A_250 = tpu.memref_slice %arg7[%mul3A_244, %dma_wait3A_249] : memref<1489x128xf32, #tpu.memory_space<vmem_shared>> -> memref<96x128xf32, #tpu.memory_space<vmem_shared>>
      %dma_wait3A_251 = arith.constant 0 : i32
      %dma_wait3A_252 = tpu.memref_slice %arg2[%mul3A_242, %dma_wait3A_251] : memref<1489x128xf32, #tpu.memory_space<hbm>> -> memref<96x128xf32, #tpu.memory_space<hbm>>
      tpu.wait_dma2 semaphore(%arg17 : memref<!tpu.dma_semaphore, #tpu.memory_space<semaphore_mem>>) src(%dma_wait3A_252 : memref<96x128xf32, #tpu.memory_space<hbm>>) dst(%dma_wait3A_250 : memref<96x128xf32, #tpu.memory_space<vmem_shared>>)
    } else {
    }
    %convert_element_type3A_8 = arith.extui %eq3A_5 : i1 to i32
    %cond3A_9 = arith.constant 0 : i32
    %cond3A_10 = arith.cmpi ne, %convert_element_type3A_8, %cond3A_9 : i32
    scf.if %cond3A_10 {
      %dma_start3A_241 = arith.constant 1440 : i32
      %dma_start3A_242 = arith.constant 0 : i32
      %dma_start3A_243 = tpu.memref_slice %arg7[%dma_start3A_241, %dma_start3A_242] : memref<1489x128xf32, #tpu.memory_space<vmem_shared>> -> memref<49x128xf32, #tpu.memory_space<vmem_shared>>
      %dma_start3A_244 = arith.constant 1440 : i32
      %dma_start3A_245 = arith.constant 0 : i32
      %dma_start3A_246 = tpu.memref_slice %arg2[%dma_start3A_244, %dma_start3A_245] : memref<1489x128xf32, #tpu.memory_space<hbm>> -> memref<49x128xf32, #tpu.memory_space<hbm>>
      tpu.enqueue_dma source(%dma_start3A_246 : memref<49x128xf32, #tpu.memory_space<hbm>>) target(%dma_start3A_243 : memref<49x128xf32, #tpu.memory_space<vmem_shared>>) target_semaphore(%arg17 : memref<!tpu.dma_semaphore, #tpu.memory_space<semaphore_mem>>)
      %dma_wait3A_247 = arith.constant 1440 : i32
      %dma_wait3A_248 = arith.constant 0 : i32
      %dma_wait3A_249 = tpu.memref_slice %arg7[%dma_wait3A_247, %dma_wait3A_248] : memref<1489x128xf32, #tpu.memory_space<vmem_shared>> -> memref<49x128xf32, #tpu.memory_space<vmem_shared>>
      %dma_wait3A_250 = arith.constant 1440 : i32
      %dma_wait3A_251 = arith.constant 0 : i32
      %dma_wait3A_252 = tpu.memref_slice %arg2[%dma_wait3A_250, %dma_wait3A_251] : memref<1489x128xf32, #tpu.memory_space<hbm>> -> memref<49x128xf32, #tpu.memory_space<hbm>>
      tpu.wait_dma2 semaphore(%arg17 : memref<!tpu.dma_semaphore, #tpu.memory_space<semaphore_mem>>) src(%dma_wait3A_252 : memref<49x128xf32, #tpu.memory_space<hbm>>) dst(%dma_wait3A_249 : memref<49x128xf32, #tpu.memory_space<vmem_shared>>)
    } else {
    }
    %dma_start3A = arith.constant 0 : i32
    %dma_start3A_11 = arith.constant 0 : i32
    %dma_start3A_12 = tpu.memref_slice %arg8[%dma_start3A, %dma_start3A_11] : memref<8x128xi32, #tpu.memory_space<vmem>> -> memref<4x128xi32, #tpu.memory_space<vmem>>
    %dma_start3A_13 = arith.constant 0 : i32
    %dma_start3A_14 = tpu.memref_slice %arg3[%mul3A_2, %dma_start3A_13] : memref<128x128xi32, #tpu.memory_space<hbm>> -> memref<4x128xi32, #tpu.memory_space<hbm>>
    %dma_start3A_15 = arith.constant 0 : i32
    %dma_start3A_16 = arith.constant 0 : i32
    %dma_start3A_17 = tpu.memref_slice %arg8[%dma_start3A_15, %dma_start3A_16] : memref<8x128xi32, #tpu.memory_space<vmem>> -> memref<4x128xi32, #tpu.memory_space<vmem>>
    %dma_start3A_18 = arith.constant 0 : i32
    %dma_start3A_19 = tpu.memref_slice %arg3[%mul3A_2, %dma_start3A_18] : memref<128x128xi32, #tpu.memory_space<hbm>> -> memref<4x128xi32, #tpu.memory_space<hbm>>
    tpu.enqueue_dma source(%dma_start3A_19 : memref<4x128xi32, #tpu.memory_space<hbm>>) target(%dma_start3A_17 : memref<4x128xi32, #tpu.memory_space<vmem>>) target_semaphore(%arg16 : memref<!tpu.dma_semaphore, #tpu.memory_space<semaphore_mem>>)
    %dma_start3A_20 = arith.constant 4 : i32
    %dma_start3A_21 = arith.constant 0 : i32
    %dma_start3A_22 = tpu.memref_slice %arg8[%dma_start3A_20, %dma_start3A_21] : memref<8x128xi32, #tpu.memory_space<vmem>> -> memref<4x128xi32, #tpu.memory_space<vmem>>
    %dma_start3A_23 = arith.constant 0 : i32
    %dma_start3A_24 = tpu.memref_slice %arg4[%mul3A_2, %dma_start3A_23] : memref<128x128xi32, #tpu.memory_space<hbm>> -> memref<4x128xi32, #tpu.memory_space<hbm>>
    %dma_start3A_25 = arith.constant 4 : i32
    %dma_start3A_26 = arith.constant 0 : i32
    %dma_start3A_27 = tpu.memref_slice %arg8[%dma_start3A_25, %dma_start3A_26] : memref<8x128xi32, #tpu.memory_space<vmem>> -> memref<4x128xi32, #tpu.memory_space<vmem>>
    %dma_start3A_28 = arith.constant 0 : i32
    %dma_start3A_29 = tpu.memref_slice %arg4[%mul3A_2, %dma_start3A_28] : memref<128x128xi32, #tpu.memory_space<hbm>> -> memref<4x128xi32, #tpu.memory_space<hbm>>
    tpu.enqueue_dma source(%dma_start3A_29 : memref<4x128xi32, #tpu.memory_space<hbm>>) target(%dma_start3A_27 : memref<4x128xi32, #tpu.memory_space<vmem>>) target_semaphore(%arg16 : memref<!tpu.dma_semaphore, #tpu.memory_space<semaphore_mem>>)
    %dma_wait3A = arith.constant 0 : i32
    %dma_wait3A_30 = arith.constant 0 : i32
    %dma_wait3A_31 = tpu.memref_slice %arg8[%dma_wait3A, %dma_wait3A_30] : memref<8x128xi32, #tpu.memory_space<vmem>> -> memref<4x128xi32, #tpu.memory_space<vmem>>
    %dma_wait3A_32 = arith.constant 0 : i32
    %dma_wait3A_33 = tpu.memref_slice %arg3[%mul3A_2, %dma_wait3A_32] : memref<128x128xi32, #tpu.memory_space<hbm>> -> memref<4x128xi32, #tpu.memory_space<hbm>>
    %dma_wait3A_34 = arith.constant 0 : i32
    %dma_wait3A_35 = arith.constant 0 : i32
    %dma_wait3A_36 = tpu.memref_slice %arg8[%dma_wait3A_34, %dma_wait3A_35] : memref<8x128xi32, #tpu.memory_space<vmem>> -> memref<4x128xi32, #tpu.memory_space<vmem>>
    %dma_wait3A_37 = arith.constant 0 : i32
    %dma_wait3A_38 = tpu.memref_slice %arg3[%mul3A_2, %dma_wait3A_37] : memref<128x128xi32, #tpu.memory_space<hbm>> -> memref<4x128xi32, #tpu.memory_space<hbm>>
    tpu.wait_dma2 semaphore(%arg16 : memref<!tpu.dma_semaphore, #tpu.memory_space<semaphore_mem>>) src(%dma_wait3A_38 : memref<4x128xi32, #tpu.memory_space<hbm>>) dst(%dma_wait3A_36 : memref<4x128xi32, #tpu.memory_space<vmem>>)
    %dma_wait3A_39 = arith.constant 4 : i32
    %dma_wait3A_40 = arith.constant 0 : i32
    %dma_wait3A_41 = tpu.memref_slice %arg8[%dma_wait3A_39, %dma_wait3A_40] : memref<8x128xi32, #tpu.memory_space<vmem>> -> memref<4x128xi32, #tpu.memory_space<vmem>>
    %dma_wait3A_42 = arith.constant 0 : i32
    %dma_wait3A_43 = tpu.memref_slice %arg4[%mul3A_2, %dma_wait3A_42] : memref<128x128xi32, #tpu.memory_space<hbm>> -> memref<4x128xi32, #tpu.memory_space<hbm>>
    %dma_wait3A_44 = arith.constant 4 : i32
    %dma_wait3A_45 = arith.constant 0 : i32
    %dma_wait3A_46 = tpu.memref_slice %arg8[%dma_wait3A_44, %dma_wait3A_45] : memref<8x128xi32, #tpu.memory_space<vmem>> -> memref<4x128xi32, #tpu.memory_space<vmem>>
    %dma_wait3A_47 = arith.constant 0 : i32
    %dma_wait3A_48 = tpu.memref_slice %arg4[%mul3A_2, %dma_wait3A_47] : memref<128x128xi32, #tpu.memory_space<hbm>> -> memref<4x128xi32, #tpu.memory_space<hbm>>
    tpu.wait_dma2 semaphore(%arg16 : memref<!tpu.dma_semaphore, #tpu.memory_space<semaphore_mem>>) src(%dma_wait3A_48 : memref<4x128xi32, #tpu.memory_space<hbm>>) dst(%dma_wait3A_46 : memref<4x128xi32, #tpu.memory_space<vmem>>)
    %barrier3A = arith.constant 0 : index
    tpu.barrier barrier_id(%barrier3A)
    %dma_start3A_49 = arith.constant 0 : i32
    %dma_start3A_50 = arith.constant 0 : i32
    %dma_start3A_51 = tpu.memref_slice %arg8[%dma_start3A_49, %dma_start3A_50] : memref<8x128xi32, #tpu.memory_space<vmem>> -> memref<1x128xi32, #tpu.memory_space<vmem>>
    %dma_start3A_52 = tpu.memref_squeeze %dma_start3A_51 : memref<1x128xi32, #tpu.memory_space<vmem>> -> memref<128xi32, #tpu.memory_space<vmem>>
    %dma_start3A_53 = arith.constant 0 : i32
    %dma_start3A_54 = arith.constant 0 : i32
    %dma_start3A_55 = tpu.memref_slice %arg7[%dma_start3A_53, %dma_start3A_54] : memref<1489x128xf32, #tpu.memory_space<vmem_shared>> -> memref<1489x128xf32, #tpu.memory_space<vmem_shared>>
    tpu.enqueue_indirect_dma source(%dma_start3A_55 : memref<1489x128xf32, #tpu.memory_space<vmem_shared>>) target(%arg9 : memref<128x128xf32, #tpu.memory_space<vmem>>) offsets(%dma_start3A_52 : memref<128xi32, #tpu.memory_space<vmem>>) semaphore(%arg18 : memref<!tpu.dma_semaphore, #tpu.memory_space<semaphore_mem>>)
    %dma_start3A_56 = arith.constant 1 : i32
    %dma_start3A_57 = arith.constant 0 : i32
    %dma_start3A_58 = tpu.memref_slice %arg8[%dma_start3A_56, %dma_start3A_57] : memref<8x128xi32, #tpu.memory_space<vmem>> -> memref<1x128xi32, #tpu.memory_space<vmem>>
    %dma_start3A_59 = tpu.memref_squeeze %dma_start3A_58 : memref<1x128xi32, #tpu.memory_space<vmem>> -> memref<128xi32, #tpu.memory_space<vmem>>
    %dma_start3A_60 = arith.constant 0 : i32
    %dma_start3A_61 = arith.constant 0 : i32
    %dma_start3A_62 = tpu.memref_slice %arg7[%dma_start3A_60, %dma_start3A_61] : memref<1489x128xf32, #tpu.memory_space<vmem_shared>> -> memref<1489x128xf32, #tpu.memory_space<vmem_shared>>
    tpu.enqueue_indirect_dma source(%dma_start3A_62 : memref<1489x128xf32, #tpu.memory_space<vmem_shared>>) target(%arg10 : memref<128x128xf32, #tpu.memory_space<vmem>>) offsets(%dma_start3A_59 : memref<128xi32, #tpu.memory_space<vmem>>) semaphore(%arg19 : memref<!tpu.dma_semaphore, #tpu.memory_space<semaphore_mem>>)
    %dma_start3A_63 = arith.constant 2 : i32
    %dma_start3A_64 = arith.constant 0 : i32
    %dma_start3A_65 = tpu.memref_slice %arg8[%dma_start3A_63, %dma_start3A_64] : memref<8x128xi32, #tpu.memory_space<vmem>> -> memref<1x128xi32, #tpu.memory_space<vmem>>
    %dma_start3A_66 = tpu.memref_squeeze %dma_start3A_65 : memref<1x128xi32, #tpu.memory_space<vmem>> -> memref<128xi32, #tpu.memory_space<vmem>>
    %dma_start3A_67 = arith.constant 0 : i32
    %dma_start3A_68 = arith.constant 0 : i32
    %dma_start3A_69 = tpu.memref_slice %arg7[%dma_start3A_67, %dma_start3A_68] : memref<1489x128xf32, #tpu.memory_space<vmem_shared>> -> memref<1489x128xf32, #tpu.memory_space<vmem_shared>>
    tpu.enqueue_indirect_dma source(%dma_start3A_69 : memref<1489x128xf32, #tpu.memory_space<vmem_shared>>) target(%arg11 : memref<128x128xf32, #tpu.memory_space<vmem>>) offsets(%dma_start3A_66 : memref<128xi32, #tpu.memory_space<vmem>>) semaphore(%arg20 : memref<!tpu.dma_semaphore, #tpu.memory_space<semaphore_mem>>)
    %dma_start3A_70 = arith.constant 3 : i32
    %dma_start3A_71 = arith.constant 0 : i32
    %dma_start3A_72 = tpu.memref_slice %arg8[%dma_start3A_70, %dma_start3A_71] : memref<8x128xi32, #tpu.memory_space<vmem>> -> memref<1x128xi32, #tpu.memory_space<vmem>>
    %dma_start3A_73 = tpu.memref_squeeze %dma_start3A_72 : memref<1x128xi32, #tpu.memory_space<vmem>> -> memref<128xi32, #tpu.memory_space<vmem>>
    %dma_start3A_74 = arith.constant 0 : i32
    %dma_start3A_75 = arith.constant 0 : i32
    %dma_start3A_76 = tpu.memref_slice %arg7[%dma_start3A_74, %dma_start3A_75] : memref<1489x128xf32, #tpu.memory_space<vmem_shared>> -> memref<1489x128xf32, #tpu.memory_space<vmem_shared>>
    tpu.enqueue_indirect_dma source(%dma_start3A_76 : memref<1489x128xf32, #tpu.memory_space<vmem_shared>>) target(%arg12 : memref<128x128xf32, #tpu.memory_space<vmem>>) offsets(%dma_start3A_73 : memref<128xi32, #tpu.memory_space<vmem>>) semaphore(%arg21 : memref<!tpu.dma_semaphore, #tpu.memory_space<semaphore_mem>>)
    %dma_start3A_77 = arith.constant 4 : i32
    %dma_start3A_78 = arith.constant 0 : i32
    %dma_start3A_79 = tpu.memref_slice %arg8[%dma_start3A_77, %dma_start3A_78] : memref<8x128xi32, #tpu.memory_space<vmem>> -> memref<1x128xi32, #tpu.memory_space<vmem>>
    %dma_start3A_80 = tpu.memref_squeeze %dma_start3A_79 : memref<1x128xi32, #tpu.memory_space<vmem>> -> memref<128xi32, #tpu.memory_space<vmem>>
    %dma_start3A_81 = arith.constant 0 : i32
    %dma_start3A_82 = arith.constant 0 : i32
    %dma_start3A_83 = tpu.memref_slice %arg7[%dma_start3A_81, %dma_start3A_82] : memref<1489x128xf32, #tpu.memory_space<vmem_shared>> -> memref<1489x128xf32, #tpu.memory_space<vmem_shared>>
    tpu.enqueue_indirect_dma source(%dma_start3A_83 : memref<1489x128xf32, #tpu.memory_space<vmem_shared>>) target(%arg13 : memref<128x128xf32, #tpu.memory_space<vmem>>) offsets(%dma_start3A_80 : memref<128xi32, #tpu.memory_space<vmem>>) semaphore(%arg22 : memref<!tpu.dma_semaphore, #tpu.memory_space<semaphore_mem>>)
    %dma_start3A_84 = arith.constant 5 : i32
    %dma_start3A_85 = arith.constant 0 : i32
    %dma_start3A_86 = tpu.memref_slice %arg8[%dma_start3A_84, %dma_start3A_85] : memref<8x128xi32, #tpu.memory_space<vmem>> -> memref<1x128xi32, #tpu.memory_space<vmem>>
    %dma_start3A_87 = tpu.memref_squeeze %dma_start3A_86 : memref<1x128xi32, #tpu.memory_space<vmem>> -> memref<128xi32, #tpu.memory_space<vmem>>
    %dma_start3A_88 = arith.constant 0 : i32
    %dma_start3A_89 = arith.constant 0 : i32
    %dma_start3A_90 = tpu.memref_slice %arg7[%dma_start3A_88, %dma_start3A_89] : memref<1489x128xf32, #tpu.memory_space<vmem_shared>> -> memref<1489x128xf32, #tpu.memory_space<vmem_shared>>
    tpu.enqueue_indirect_dma source(%dma_start3A_90 : memref<1489x128xf32, #tpu.memory_space<vmem_shared>>) target(%arg14 : memref<128x128xf32, #tpu.memory_space<vmem>>) offsets(%dma_start3A_87 : memref<128xi32, #tpu.memory_space<vmem>>) semaphore(%arg23 : memref<!tpu.dma_semaphore, #tpu.memory_space<semaphore_mem>>)
    %dma_start3A_91 = arith.constant 6 : i32
    %dma_start3A_92 = arith.constant 0 : i32
    %dma_start3A_93 = tpu.memref_slice %arg8[%dma_start3A_91, %dma_start3A_92] : memref<8x128xi32, #tpu.memory_space<vmem>> -> memref<1x128xi32, #tpu.memory_space<vmem>>
    %dma_start3A_94 = tpu.memref_squeeze %dma_start3A_93 : memref<1x128xi32, #tpu.memory_space<vmem>> -> memref<128xi32, #tpu.memory_space<vmem>>
    %dma_start3A_95 = arith.constant 0 : i32
    %dma_start3A_96 = arith.constant 0 : i32
    %dma_start3A_97 = tpu.memref_slice %arg7[%dma_start3A_95, %dma_start3A_96] : memref<1489x128xf32, #tpu.memory_space<vmem_shared>> -> memref<1489x128xf32, #tpu.memory_space<vmem_shared>>
    tpu.enqueue_indirect_dma source(%dma_start3A_97 : memref<1489x128xf32, #tpu.memory_space<vmem_shared>>) target(%arg15 : memref<128x128xf32, #tpu.memory_space<vmem>>) offsets(%dma_start3A_94 : memref<128xi32, #tpu.memory_space<vmem>>) semaphore(%arg24 : memref<!tpu.dma_semaphore, #tpu.memory_space<semaphore_mem>>)
    %dma_wait3A_98 = arith.constant 0 : i32
    %dma_wait3A_99 = arith.constant 0 : i32
    %dma_wait3A_100 = tpu.memref_slice %arg8[%dma_wait3A_98, %dma_wait3A_99] : memref<8x128xi32, #tpu.memory_space<vmem>> -> memref<1x128xi32, #tpu.memory_space<vmem>>
    %dma_wait3A_101 = tpu.memref_squeeze %dma_wait3A_100 : memref<1x128xi32, #tpu.memory_space<vmem>> -> memref<128xi32, #tpu.memory_space<vmem>>
    %dma_wait3A_102 = arith.constant 0 : i32
    %dma_wait3A_103 = arith.constant 0 : i32
    %dma_wait3A_104 = tpu.memref_slice %arg7[%dma_wait3A_102, %dma_wait3A_103] : memref<1489x128xf32, #tpu.memory_space<vmem_shared>> -> memref<1489x128xf32, #tpu.memory_space<vmem_shared>>
    tpu.wait_indirect_dma semaphore(%arg18 : memref<!tpu.dma_semaphore, #tpu.memory_space<semaphore_mem>>) src(%dma_wait3A_104 : memref<1489x128xf32, #tpu.memory_space<vmem_shared>>) dst(%arg9 : memref<128x128xf32, #tpu.memory_space<vmem>>)
    %add3A_105 = arith.constant 0 : i32
    %add3A_106 = arith.addi %mul3A_4, %add3A_105 : i32
    %dma_start3A_107 = arith.constant 0 : i32
    %dma_start3A_108 = tpu.memref_slice %arg5[%add3A_106, %dma_start3A_107] : memref<16384x128xf32, #tpu.memory_space<hbm>> -> memref<128x128xf32, #tpu.memory_space<hbm>>
    %dma_start3A_109 = arith.constant 0 : i32
    %dma_start3A_110 = tpu.memref_slice %arg5[%add3A_106, %dma_start3A_109] : memref<16384x128xf32, #tpu.memory_space<hbm>> -> memref<128x128xf32, #tpu.memory_space<hbm>>
    tpu.enqueue_dma source(%arg9 : memref<128x128xf32, #tpu.memory_space<vmem>>) target(%dma_start3A_110 : memref<128x128xf32, #tpu.memory_space<hbm>>) target_semaphore(%arg25 : memref<!tpu.dma_semaphore, #tpu.memory_space<semaphore_mem>>)
    %dma_wait3A_111 = arith.constant 0 : i32
    %dma_wait3A_112 = tpu.memref_slice %arg5[%add3A_106, %dma_wait3A_111] : memref<16384x128xf32, #tpu.memory_space<hbm>> -> memref<128x128xf32, #tpu.memory_space<hbm>>
    %dma_wait3A_113 = arith.constant 0 : i32
    %dma_wait3A_114 = tpu.memref_slice %arg5[%add3A_106, %dma_wait3A_113] : memref<16384x128xf32, #tpu.memory_space<hbm>> -> memref<128x128xf32, #tpu.memory_space<hbm>>
    tpu.wait_dma2 semaphore(%arg25 : memref<!tpu.dma_semaphore, #tpu.memory_space<semaphore_mem>>) src(%arg9 : memref<128x128xf32, #tpu.memory_space<vmem>>) dst(%dma_wait3A_114 : memref<128x128xf32, #tpu.memory_space<hbm>>)
    %dma_start3A_115 = arith.constant 7 : i32
    %dma_start3A_116 = arith.constant 0 : i32
    %dma_start3A_117 = tpu.memref_slice %arg8[%dma_start3A_115, %dma_start3A_116] : memref<8x128xi32, #tpu.memory_space<vmem>> -> memref<1x128xi32, #tpu.memory_space<vmem>>
    %dma_start3A_118 = tpu.memref_squeeze %dma_start3A_117 : memref<1x128xi32, #tpu.memory_space<vmem>> -> memref<128xi32, #tpu.memory_space<vmem>>
    %dma_start3A_119 = arith.constant 0 : i32
    %dma_start3A_120 = arith.constant 0 : i32
    %dma_start3A_121 = tpu.memref_slice %arg7[%dma_start3A_119, %dma_start3A_120] : memref<1489x128xf32, #tpu.memory_space<vmem_shared>> -> memref<1489x128xf32, #tpu.memory_space<vmem_shared>>
    tpu.enqueue_indirect_dma source(%dma_start3A_121 : memref<1489x128xf32, #tpu.memory_space<vmem_shared>>) target(%arg9 : memref<128x128xf32, #tpu.memory_space<vmem>>) offsets(%dma_start3A_118 : memref<128xi32, #tpu.memory_space<vmem>>) semaphore(%arg18 : memref<!tpu.dma_semaphore, #tpu.memory_space<semaphore_mem>>)
    %dma_wait3A_122 = arith.constant 1 : i32
    %dma_wait3A_123 = arith.constant 0 : i32
    %dma_wait3A_124 = tpu.memref_slice %arg8[%dma_wait3A_122, %dma_wait3A_123] : memref<8x128xi32, #tpu.memory_space<vmem>> -> memref<1x128xi32, #tpu.memory_space<vmem>>
    %dma_wait3A_125 = tpu.memref_squeeze %dma_wait3A_124 : memref<1x128xi32, #tpu.memory_space<vmem>> -> memref<128xi32, #tpu.memory_space<vmem>>
    %dma_wait3A_126 = arith.constant 0 : i32
    %dma_wait3A_127 = arith.constant 0 : i32
    %dma_wait3A_128 = tpu.memref_slice %arg7[%dma_wait3A_126, %dma_wait3A_127] : memref<1489x128xf32, #tpu.memory_space<vmem_shared>> -> memref<1489x128xf32, #tpu.memory_space<vmem_shared>>
    tpu.wait_indirect_dma semaphore(%arg19 : memref<!tpu.dma_semaphore, #tpu.memory_space<semaphore_mem>>) src(%dma_wait3A_128 : memref<1489x128xf32, #tpu.memory_space<vmem_shared>>) dst(%arg10 : memref<128x128xf32, #tpu.memory_space<vmem>>)
    %add3A_129 = arith.constant 128 : i32
    %add3A_130 = arith.addi %mul3A_4, %add3A_129 : i32
    %dma_start3A_131 = arith.constant 0 : i32
    %dma_start3A_132 = tpu.memref_slice %arg5[%add3A_130, %dma_start3A_131] : memref<16384x128xf32, #tpu.memory_space<hbm>> -> memref<128x128xf32, #tpu.memory_space<hbm>>
    %dma_start3A_133 = arith.constant 0 : i32
    %dma_start3A_134 = tpu.memref_slice %arg5[%add3A_130, %dma_start3A_133] : memref<16384x128xf32, #tpu.memory_space<hbm>> -> memref<128x128xf32, #tpu.memory_space<hbm>>
    tpu.enqueue_dma source(%arg10 : memref<128x128xf32, #tpu.memory_space<vmem>>) target(%dma_start3A_134 : memref<128x128xf32, #tpu.memory_space<hbm>>) target_semaphore(%arg26 : memref<!tpu.dma_semaphore, #tpu.memory_space<semaphore_mem>>)
    %dma_wait3A_135 = arith.constant 2 : i32
    %dma_wait3A_136 = arith.constant 0 : i32
    %dma_wait3A_137 = tpu.memref_slice %arg8[%dma_wait3A_135, %dma_wait3A_136] : memref<8x128xi32, #tpu.memory_space<vmem>> -> memref<1x128xi32, #tpu.memory_space<vmem>>
    %dma_wait3A_138 = tpu.memref_squeeze %dma_wait3A_137 : memref<1x128xi32, #tpu.memory_space<vmem>> -> memref<128xi32, #tpu.memory_space<vmem>>
    %dma_wait3A_139 = arith.constant 0 : i32
    %dma_wait3A_140 = arith.constant 0 : i32
    %dma_wait3A_141 = tpu.memref_slice %arg7[%dma_wait3A_139, %dma_wait3A_140] : memref<1489x128xf32, #tpu.memory_space<vmem_shared>> -> memref<1489x128xf32, #tpu.memory_space<vmem_shared>>
    tpu.wait_indirect_dma semaphore(%arg20 : memref<!tpu.dma_semaphore, #tpu.memory_space<semaphore_mem>>) src(%dma_wait3A_141 : memref<1489x128xf32, #tpu.memory_space<vmem_shared>>) dst(%arg11 : memref<128x128xf32, #tpu.memory_space<vmem>>)
    %add3A_142 = arith.constant 256 : i32
    %add3A_143 = arith.addi %mul3A_4, %add3A_142 : i32
    %dma_start3A_144 = arith.constant 0 : i32
    %dma_start3A_145 = tpu.memref_slice %arg5[%add3A_143, %dma_start3A_144] : memref<16384x128xf32, #tpu.memory_space<hbm>> -> memref<128x128xf32, #tpu.memory_space<hbm>>
    %dma_start3A_146 = arith.constant 0 : i32
    %dma_start3A_147 = tpu.memref_slice %arg5[%add3A_143, %dma_start3A_146] : memref<16384x128xf32, #tpu.memory_space<hbm>> -> memref<128x128xf32, #tpu.memory_space<hbm>>
    tpu.enqueue_dma source(%arg11 : memref<128x128xf32, #tpu.memory_space<vmem>>) target(%dma_start3A_147 : memref<128x128xf32, #tpu.memory_space<hbm>>) target_semaphore(%arg27 : memref<!tpu.dma_semaphore, #tpu.memory_space<semaphore_mem>>)
    %dma_wait3A_148 = arith.constant 3 : i32
    %dma_wait3A_149 = arith.constant 0 : i32
    %dma_wait3A_150 = tpu.memref_slice %arg8[%dma_wait3A_148, %dma_wait3A_149] : memref<8x128xi32, #tpu.memory_space<vmem>> -> memref<1x128xi32, #tpu.memory_space<vmem>>
    %dma_wait3A_151 = tpu.memref_squeeze %dma_wait3A_150 : memref<1x128xi32, #tpu.memory_space<vmem>> -> memref<128xi32, #tpu.memory_space<vmem>>
    %dma_wait3A_152 = arith.constant 0 : i32
    %dma_wait3A_153 = arith.constant 0 : i32
    %dma_wait3A_154 = tpu.memref_slice %arg7[%dma_wait3A_152, %dma_wait3A_153] : memref<1489x128xf32, #tpu.memory_space<vmem_shared>> -> memref<1489x128xf32, #tpu.memory_space<vmem_shared>>
    tpu.wait_indirect_dma semaphore(%arg21 : memref<!tpu.dma_semaphore, #tpu.memory_space<semaphore_mem>>) src(%dma_wait3A_154 : memref<1489x128xf32, #tpu.memory_space<vmem_shared>>) dst(%arg12 : memref<128x128xf32, #tpu.memory_space<vmem>>)
    %add3A_155 = arith.constant 384 : i32
    %add3A_156 = arith.addi %mul3A_4, %add3A_155 : i32
    %dma_start3A_157 = arith.constant 0 : i32
    %dma_start3A_158 = tpu.memref_slice %arg5[%add3A_156, %dma_start3A_157] : memref<16384x128xf32, #tpu.memory_space<hbm>> -> memref<128x128xf32, #tpu.memory_space<hbm>>
    %dma_start3A_159 = arith.constant 0 : i32
    %dma_start3A_160 = tpu.memref_slice %arg5[%add3A_156, %dma_start3A_159] : memref<16384x128xf32, #tpu.memory_space<hbm>> -> memref<128x128xf32, #tpu.memory_space<hbm>>
    tpu.enqueue_dma source(%arg12 : memref<128x128xf32, #tpu.memory_space<vmem>>) target(%dma_start3A_160 : memref<128x128xf32, #tpu.memory_space<hbm>>) target_semaphore(%arg28 : memref<!tpu.dma_semaphore, #tpu.memory_space<semaphore_mem>>)
    %dma_wait3A_161 = arith.constant 4 : i32
    %dma_wait3A_162 = arith.constant 0 : i32
    %dma_wait3A_163 = tpu.memref_slice %arg8[%dma_wait3A_161, %dma_wait3A_162] : memref<8x128xi32, #tpu.memory_space<vmem>> -> memref<1x128xi32, #tpu.memory_space<vmem>>
    %dma_wait3A_164 = tpu.memref_squeeze %dma_wait3A_163 : memref<1x128xi32, #tpu.memory_space<vmem>> -> memref<128xi32, #tpu.memory_space<vmem>>
    %dma_wait3A_165 = arith.constant 0 : i32
    %dma_wait3A_166 = arith.constant 0 : i32
    %dma_wait3A_167 = tpu.memref_slice %arg7[%dma_wait3A_165, %dma_wait3A_166] : memref<1489x128xf32, #tpu.memory_space<vmem_shared>> -> memref<1489x128xf32, #tpu.memory_space<vmem_shared>>
    tpu.wait_indirect_dma semaphore(%arg22 : memref<!tpu.dma_semaphore, #tpu.memory_space<semaphore_mem>>) src(%dma_wait3A_167 : memref<1489x128xf32, #tpu.memory_space<vmem_shared>>) dst(%arg13 : memref<128x128xf32, #tpu.memory_space<vmem>>)
    %add3A_168 = arith.constant 0 : i32
    %add3A_169 = arith.addi %mul3A_4, %add3A_168 : i32
    %dma_start3A_170 = arith.constant 0 : i32
    %dma_start3A_171 = tpu.memref_slice %arg6[%add3A_169, %dma_start3A_170] : memref<16384x128xf32, #tpu.memory_space<hbm>> -> memref<128x128xf32, #tpu.memory_space<hbm>>
    %dma_start3A_172 = arith.constant 0 : i32
    %dma_start3A_173 = tpu.memref_slice %arg6[%add3A_169, %dma_start3A_172] : memref<16384x128xf32, #tpu.memory_space<hbm>> -> memref<128x128xf32, #tpu.memory_space<hbm>>
    tpu.enqueue_dma source(%arg13 : memref<128x128xf32, #tpu.memory_space<vmem>>) target(%dma_start3A_173 : memref<128x128xf32, #tpu.memory_space<hbm>>) target_semaphore(%arg29 : memref<!tpu.dma_semaphore, #tpu.memory_space<semaphore_mem>>)
    %dma_wait3A_174 = arith.constant 5 : i32
    %dma_wait3A_175 = arith.constant 0 : i32
    %dma_wait3A_176 = tpu.memref_slice %arg8[%dma_wait3A_174, %dma_wait3A_175] : memref<8x128xi32, #tpu.memory_space<vmem>> -> memref<1x128xi32, #tpu.memory_space<vmem>>
    %dma_wait3A_177 = tpu.memref_squeeze %dma_wait3A_176 : memref<1x128xi32, #tpu.memory_space<vmem>> -> memref<128xi32, #tpu.memory_space<vmem>>
    %dma_wait3A_178 = arith.constant 0 : i32
    %dma_wait3A_179 = arith.constant 0 : i32
    %dma_wait3A_180 = tpu.memref_slice %arg7[%dma_wait3A_178, %dma_wait3A_179] : memref<1489x128xf32, #tpu.memory_space<vmem_shared>> -> memref<1489x128xf32, #tpu.memory_space<vmem_shared>>
    tpu.wait_indirect_dma semaphore(%arg23 : memref<!tpu.dma_semaphore, #tpu.memory_space<semaphore_mem>>) src(%dma_wait3A_180 : memref<1489x128xf32, #tpu.memory_space<vmem_shared>>) dst(%arg14 : memref<128x128xf32, #tpu.memory_space<vmem>>)
    %add3A_181 = arith.constant 128 : i32
    %add3A_182 = arith.addi %mul3A_4, %add3A_181 : i32
    %dma_start3A_183 = arith.constant 0 : i32
    %dma_start3A_184 = tpu.memref_slice %arg6[%add3A_182, %dma_start3A_183] : memref<16384x128xf32, #tpu.memory_space<hbm>> -> memref<128x128xf32, #tpu.memory_space<hbm>>
    %dma_start3A_185 = arith.constant 0 : i32
    %dma_start3A_186 = tpu.memref_slice %arg6[%add3A_182, %dma_start3A_185] : memref<16384x128xf32, #tpu.memory_space<hbm>> -> memref<128x128xf32, #tpu.memory_space<hbm>>
    tpu.enqueue_dma source(%arg14 : memref<128x128xf32, #tpu.memory_space<vmem>>) target(%dma_start3A_186 : memref<128x128xf32, #tpu.memory_space<hbm>>) target_semaphore(%arg30 : memref<!tpu.dma_semaphore, #tpu.memory_space<semaphore_mem>>)
    %dma_wait3A_187 = arith.constant 6 : i32
    %dma_wait3A_188 = arith.constant 0 : i32
    %dma_wait3A_189 = tpu.memref_slice %arg8[%dma_wait3A_187, %dma_wait3A_188] : memref<8x128xi32, #tpu.memory_space<vmem>> -> memref<1x128xi32, #tpu.memory_space<vmem>>
    %dma_wait3A_190 = tpu.memref_squeeze %dma_wait3A_189 : memref<1x128xi32, #tpu.memory_space<vmem>> -> memref<128xi32, #tpu.memory_space<vmem>>
    %dma_wait3A_191 = arith.constant 0 : i32
    %dma_wait3A_192 = arith.constant 0 : i32
    %dma_wait3A_193 = tpu.memref_slice %arg7[%dma_wait3A_191, %dma_wait3A_192] : memref<1489x128xf32, #tpu.memory_space<vmem_shared>> -> memref<1489x128xf32, #tpu.memory_space<vmem_shared>>
    tpu.wait_indirect_dma semaphore(%arg24 : memref<!tpu.dma_semaphore, #tpu.memory_space<semaphore_mem>>) src(%dma_wait3A_193 : memref<1489x128xf32, #tpu.memory_space<vmem_shared>>) dst(%arg15 : memref<128x128xf32, #tpu.memory_space<vmem>>)
    %add3A_194 = arith.constant 256 : i32
    %add3A_195 = arith.addi %mul3A_4, %add3A_194 : i32
    %dma_start3A_196 = arith.constant 0 : i32
    %dma_start3A_197 = tpu.memref_slice %arg6[%add3A_195, %dma_start3A_196] : memref<16384x128xf32, #tpu.memory_space<hbm>> -> memref<128x128xf32, #tpu.memory_space<hbm>>
    %dma_start3A_198 = arith.constant 0 : i32
    %dma_start3A_199 = tpu.memref_slice %arg6[%add3A_195, %dma_start3A_198] : memref<16384x128xf32, #tpu.memory_space<hbm>> -> memref<128x128xf32, #tpu.memory_space<hbm>>
    tpu.enqueue_dma source(%arg15 : memref<128x128xf32, #tpu.memory_space<vmem>>) target(%dma_start3A_199 : memref<128x128xf32, #tpu.memory_space<hbm>>) target_semaphore(%arg31 : memref<!tpu.dma_semaphore, #tpu.memory_space<semaphore_mem>>)
    %dma_wait3A_200 = arith.constant 7 : i32
    %dma_wait3A_201 = arith.constant 0 : i32
    %dma_wait3A_202 = tpu.memref_slice %arg8[%dma_wait3A_200, %dma_wait3A_201] : memref<8x128xi32, #tpu.memory_space<vmem>> -> memref<1x128xi32, #tpu.memory_space<vmem>>
    %dma_wait3A_203 = tpu.memref_squeeze %dma_wait3A_202 : memref<1x128xi32, #tpu.memory_space<vmem>> -> memref<128xi32, #tpu.memory_space<vmem>>
    %dma_wait3A_204 = arith.constant 0 : i32
    %dma_wait3A_205 = arith.constant 0 : i32
    %dma_wait3A_206 = tpu.memref_slice %arg7[%dma_wait3A_204, %dma_wait3A_205] : memref<1489x128xf32, #tpu.memory_space<vmem_shared>> -> memref<1489x128xf32, #tpu.memory_space<vmem_shared>>
    tpu.wait_indirect_dma semaphore(%arg18 : memref<!tpu.dma_semaphore, #tpu.memory_space<semaphore_mem>>) src(%dma_wait3A_206 : memref<1489x128xf32, #tpu.memory_space<vmem_shared>>) dst(%arg9 : memref<128x128xf32, #tpu.memory_space<vmem>>)
    %add3A_207 = arith.constant 384 : i32
    %add3A_208 = arith.addi %mul3A_4, %add3A_207 : i32
    %dma_start3A_209 = arith.constant 0 : i32
    %dma_start3A_210 = tpu.memref_slice %arg6[%add3A_208, %dma_start3A_209] : memref<16384x128xf32, #tpu.memory_space<hbm>> -> memref<128x128xf32, #tpu.memory_space<hbm>>
    %dma_start3A_211 = arith.constant 0 : i32
    %dma_start3A_212 = tpu.memref_slice %arg6[%add3A_208, %dma_start3A_211] : memref<16384x128xf32, #tpu.memory_space<hbm>> -> memref<128x128xf32, #tpu.memory_space<hbm>>
    tpu.enqueue_dma source(%arg9 : memref<128x128xf32, #tpu.memory_space<vmem>>) target(%dma_start3A_212 : memref<128x128xf32, #tpu.memory_space<hbm>>) target_semaphore(%arg25 : memref<!tpu.dma_semaphore, #tpu.memory_space<semaphore_mem>>)
    %dma_wait3A_213 = arith.constant 0 : i32
    %dma_wait3A_214 = tpu.memref_slice %arg6[%add3A_208, %dma_wait3A_213] : memref<16384x128xf32, #tpu.memory_space<hbm>> -> memref<128x128xf32, #tpu.memory_space<hbm>>
    %dma_wait3A_215 = arith.constant 0 : i32
    %dma_wait3A_216 = tpu.memref_slice %arg6[%add3A_208, %dma_wait3A_215] : memref<16384x128xf32, #tpu.memory_space<hbm>> -> memref<128x128xf32, #tpu.memory_space<hbm>>
    tpu.wait_dma2 semaphore(%arg25 : memref<!tpu.dma_semaphore, #tpu.memory_space<semaphore_mem>>) src(%arg9 : memref<128x128xf32, #tpu.memory_space<vmem>>) dst(%dma_wait3A_216 : memref<128x128xf32, #tpu.memory_space<hbm>>)
    %dma_wait3A_217 = arith.constant 0 : i32
    %dma_wait3A_218 = tpu.memref_slice %arg5[%add3A_130, %dma_wait3A_217] : memref<16384x128xf32, #tpu.memory_space<hbm>> -> memref<128x128xf32, #tpu.memory_space<hbm>>
    %dma_wait3A_219 = arith.constant 0 : i32
    %dma_wait3A_220 = tpu.memref_slice %arg5[%add3A_130, %dma_wait3A_219] : memref<16384x128xf32, #tpu.memory_space<hbm>> -> memref<128x128xf32, #tpu.memory_space<hbm>>
    tpu.wait_dma2 semaphore(%arg26 : memref<!tpu.dma_semaphore, #tpu.memory_space<semaphore_mem>>) src(%arg10 : memref<128x128xf32, #tpu.memory_space<vmem>>) dst(%dma_wait3A_220 : memref<128x128xf32, #tpu.memory_space<hbm>>)
    %dma_wait3A_221 = arith.constant 0 : i32
    %dma_wait3A_222 = tpu.memref_slice %arg5[%add3A_143, %dma_wait3A_221] : memref<16384x128xf32, #tpu.memory_space<hbm>> -> memref<128x128xf32, #tpu.memory_space<hbm>>
    %dma_wait3A_223 = arith.constant 0 : i32
    %dma_wait3A_224 = tpu.memref_slice %arg5[%add3A_143, %dma_wait3A_223] : memref<16384x128xf32, #tpu.memory_space<hbm>> -> memref<128x128xf32, #tpu.memory_space<hbm>>
    tpu.wait_dma2 semaphore(%arg27 : memref<!tpu.dma_semaphore, #tpu.memory_space<semaphore_mem>>) src(%arg11 : memref<128x128xf32, #tpu.memory_space<vmem>>) dst(%dma_wait3A_224 : memref<128x128xf32, #tpu.memory_space<hbm>>)
    %dma_wait3A_225 = arith.constant 0 : i32
    %dma_wait3A_226 = tpu.memref_slice %arg5[%add3A_156, %dma_wait3A_225] : memref<16384x128xf32, #tpu.memory_space<hbm>> -> memref<128x128xf32, #tpu.memory_space<hbm>>
    %dma_wait3A_227 = arith.constant 0 : i32
    %dma_wait3A_228 = tpu.memref_slice %arg5[%add3A_156, %dma_wait3A_227] : memref<16384x128xf32, #tpu.memory_space<hbm>> -> memref<128x128xf32, #tpu.memory_space<hbm>>
    tpu.wait_dma2 semaphore(%arg28 : memref<!tpu.dma_semaphore, #tpu.memory_space<semaphore_mem>>) src(%arg12 : memref<128x128xf32, #tpu.memory_space<vmem>>) dst(%dma_wait3A_228 : memref<128x128xf32, #tpu.memory_space<hbm>>)
    %dma_wait3A_229 = arith.constant 0 : i32
    %dma_wait3A_230 = tpu.memref_slice %arg6[%add3A_169, %dma_wait3A_229] : memref<16384x128xf32, #tpu.memory_space<hbm>> -> memref<128x128xf32, #tpu.memory_space<hbm>>
    %dma_wait3A_231 = arith.constant 0 : i32
    %dma_wait3A_232 = tpu.memref_slice %arg6[%add3A_169, %dma_wait3A_231] : memref<16384x128xf32, #tpu.memory_space<hbm>> -> memref<128x128xf32, #tpu.memory_space<hbm>>
    tpu.wait_dma2 semaphore(%arg29 : memref<!tpu.dma_semaphore, #tpu.memory_space<semaphore_mem>>) src(%arg13 : memref<128x128xf32, #tpu.memory_space<vmem>>) dst(%dma_wait3A_232 : memref<128x128xf32, #tpu.memory_space<hbm>>)
    %dma_wait3A_233 = arith.constant 0 : i32
    %dma_wait3A_234 = tpu.memref_slice %arg6[%add3A_182, %dma_wait3A_233] : memref<16384x128xf32, #tpu.memory_space<hbm>> -> memref<128x128xf32, #tpu.memory_space<hbm>>
    %dma_wait3A_235 = arith.constant 0 : i32
    %dma_wait3A_236 = tpu.memref_slice %arg6[%add3A_182, %dma_wait3A_235] : memref<16384x128xf32, #tpu.memory_space<hbm>> -> memref<128x128xf32, #tpu.memory_space<hbm>>
    tpu.wait_dma2 semaphore(%arg30 : memref<!tpu.dma_semaphore, #tpu.memory_space<semaphore_mem>>) src(%arg14 : memref<128x128xf32, #tpu.memory_space<vmem>>) dst(%dma_wait3A_236 : memref<128x128xf32, #tpu.memory_space<hbm>>)
    %dma_wait3A_237 = arith.constant 0 : i32
    %dma_wait3A_238 = tpu.memref_slice %arg6[%add3A_195, %dma_wait3A_237] : memref<16384x128xf32, #tpu.memory_space<hbm>> -> memref<128x128xf32, #tpu.memory_space<hbm>>
    %dma_wait3A_239 = arith.constant 0 : i32
    %dma_wait3A_240 = tpu.memref_slice %arg6[%add3A_195, %dma_wait3A_239] : memref<16384x128xf32, #tpu.memory_space<hbm>> -> memref<128x128xf32, #tpu.memory_space<hbm>>
    tpu.wait_dma2 semaphore(%arg31 : memref<!tpu.dma_semaphore, #tpu.memory_space<semaphore_mem>>) src(%arg15 : memref<128x128xf32, #tpu.memory_space<vmem>>) dst(%dma_wait3A_240 : memref<128x128xf32, #tpu.memory_space<hbm>>)
    return
  }
}

</mosaic_0001>

<sc_bundles>
// kernel: kernel.3.cloned.1.call-start
scs
__scs_entry_jumppad:
0x0: {  	(pc) =	sbr.rel $0x88, $3  }
0x1: {  	(tag) =	ssettag $0x0;
	lr =	simm.s32 $0x1  }
0x2: {  	[smem:$0x3F9E] =	sst lr;
	_ =	strace $0xD0000000  }
0x3: {  	_ = 	snop  }
0x4: {  	_ = 	snop  }
0x5: {  	_ = 	snop  }
0x6: {  	_ = 	snop  }
0x7: {  	_ = 	snop  }
__scs_overlays_trampoline_lowered:
0x8: {  	[smem:$0x3FAD] =	sst s0  }
0x9: {  	[smem:$0x3FAE] =	sst s1  }
0xa: {  	[smem:$0x3FAF] =	sst s2  }
0xb: {  	[smem:$0x3FB0] =	sst s3  }
0xc: {  	[smem:$0x3FB1] =	sst s4  }
0xd: {  	[smem:$0x3FB2] =	sst s5  }
0xe: {  	[smem:$0x3FB3] =	sst s6  }
0xf: {  	[smem:$0x3FB4] =	sst s7  }
0x10: {  	[smem:$0x3FB5] =	sst s8  }
0x11: {  	[smem:$0x3FB6] =	sst s9;
	s0 =	simm.s32 @!p0 $0x0  }
0x12: {  	s1 =	sld [smem:$0x3F9C];
	s0 =	simm.s32 @p0 $0x1  }
0x13: {  	[smem:$0x3FB7] =	sst s0;
	s0 =	simm.s32 @!p1 $0x0  }
0x14: {  	s2 =	sld [smem:$0x3F9B];
	s0 =	simm.s32 @p1 $0x1  }
0x15: {  	[smem:$0x3FB8] =	sst s0;
	s0 =	simm.s32 @!p2 $0x0  }
0x16: {  	s3 =	sld [smem:$0x3FDB];
	s0 =	simm.s32 @p2 $0x1  }
0x17: {  	s4 =	simm.s32 $0x1BF5;
	[smem:$0x3FBA] =	sst s0  }
0x18: {  	s0 =	sld [smem:$0x3F9D];
	_ =	swait.ge [sflag:s4], $0x0  }
0x19: {  	s7 =	sld [smem:$0x3F9E]  }
0x1a: {  	s8 =	sadd.s32 $0xFFFFE003, lr  }
0x1b: {  	s9 =	sadd.s32 $0xFFFFFEF7, lr;
	s5 =	simm.s32 $0xFFFFFFFF;
	p2 =	slt.u32 s8, $0xFFFFF086  }
0x1c: {  	p1 =	slt.u32 s9, $0xF7A;
	s5 =	simm.s32 @!p2 $0x0  }
0x1d: {  	s5 =	simm.s32 @p1 $0x1;
	p0 =	seq.s32 s7, s2  }
0x1e: {  	s7 =	smul.u32 @!p0 $0xF7A, s2;
	p2 =	seq.s32 @!p0 s5, $0x0  }
0x1f: {  	s9 =	smul.u32 $0xF7A, s1;
	s8 =	simm.s32 @!p0 $0x1BF5;
	p2 =	por !p2, p0  }
0x20: {  	[sflag:s8] =	ssyncset.s32 @!p0 $0xFFFFF086;
	s6 =	sadd.s32 @!p0 s3, s7;
	s7 =	simm.s32 @!p0 $0x108  }
0x21: {  	s3 =	sadd.s32 s3, s9;
	s6 =	sadd.s32 @!p0 $0x88, s6;
	s7 =	simm.s32 @p2 $0x1082  }
0x22: {  	[simem:s7], [sflag:s8] =	dma.local @!p0 [hbm:s6], $0xF7A  }
0x23: {  	s9 =	sor.u32 $0xD0000000, s2;
	s6 =	simm.s32 $0x108;
	_ =	swait.ge @!p0 [sflag:s8], $0x0  }
0x24: {  	s3 =	sadd.s32 $0x88, s3;
	s6 =	simm.s32 @!p1 $0x1082;
	[sflag:s4] =	ssyncset.s32 $0xFFFFF086  }
0x25: {  	[simem:s6], [sflag:s4] =	dma.local [hbm:s3], $0xF7A  }
0x26: {  	[smem:$0x3F9E] =	sst s1;
	(tag) =	ssettag s2;
	_ =	strace s9  }
0x27: {  	s1 =	sld [smem:$0x3FAE]  }
0x28: {  	s2 =	sld [smem:$0x3FAF]  }
0x29: {  	s4 =	sld [smem:$0x3FB1]  }
0x2a: {  	p0 =	seq.s32 s5, $0x0;
	s5 =	sld [smem:$0x3FB2]  }
0x2b: {  	s6 =	sld [smem:$0x3FB3]  }
0x2c: {  	s7 =	sld [smem:$0x3FB4]  }
0x2d: {  	s3 =	simm.s32 $0x108;
	s8 =	sld [smem:$0x3FB5]  }
0x2e: {  	s3 =	simm.s32 @!p0 $0x1082;
	s9 =	sld [smem:$0x3FB6]  }
0x2f: {  	lr =	sadd.s32 s0, s3;
	s0 =	sld [smem:$0x3FAD]  }
0x30: {  	s3 =	sld [smem:$0x3FB0]  }
0x31: {  	[smem:$0x3FB9] =	sst s10  }
0x32: {  	s10 =	sld [smem:$0x3FB7];
	_ =	sdelay $0x3  }
0x33: {  	p0 =	seq.s32 s10, $0x1;
	s10 =	sld [smem:$0x3FB9];
	_ =	sdelay $0x3  }
0x34: {  	[smem:$0x3FB9] =	sst s10  }
0x35: {  	s10 =	sld [smem:$0x3FB8];
	_ =	sdelay $0x3  }
0x36: {  	p1 =	seq.s32 s10, $0x1;
	s10 =	sld [smem:$0x3FB9];
	_ =	sdelay $0x3  }
0x37: {  	[smem:$0x3FB9] =	sst s10  }
0x38: {  	s10 =	sld [smem:$0x3FBA]  }
0x39: {  	_ = 	snop;
	(pc) =	sbr.ind lr, $3  }
0x3a: {  	_ = 	snop  }
0x3b: {  	_ = 	snop  }
0x3c: {  	p2 =	seq.s32 s10, $0x1;
	s10 =	sld [smem:$0x3FB9]  }
0x3d: {  	_ =	shalt  }
0x3e: {  	_ =	shalt  }
0x3f: {  	_ =	shalt  }
0x40: {  	_ =	shalt  }
0x41: {  	_ =	shalt  }
0x42: {  	_ =	shalt  }
0x43: {  	_ =	shalt  }
0x44: {  	_ =	shalt  }
0x45: {  	_ =	shalt  }
0x46: {  	_ =	shalt  }
0x47: {  	_ =	shalt  }
0x48: {  	_ =	shalt  }
0x49: {  	_ =	shalt  }
0x4a: {  	_ =	shalt  }
0x4b: {  	_ =	shalt  }
0x4c: {  	_ =	shalt  }
0x4d: {  	_ =	shalt  }
0x4e: {  	_ =	shalt  }
0x4f: {  	_ =	shalt  }
0x50: {  	_ =	shalt  }
0x51: {  	_ =	shalt  }
0x52: {  	_ =	shalt  }
0x53: {  	_ =	shalt  }
0x54: {  	_ =	shalt  }
0x55: {  	_ =	shalt  }
0x56: {  	_ =	shalt  }
0x57: {  	_ =	shalt  }
0x58: {  	_ =	shalt  }
0x59: {  	_ =	shalt  }
0x5a: {  	_ =	shalt  }
0x5b: {  	_ =	shalt  }
0x5c: {  	_ =	shalt  }
0x5d: {  	_ =	shalt  }
0x5e: {  	_ =	shalt  }
0x5f: {  	_ =	shalt  }
0x60: {  	_ =	shalt  }
0x61: {  	_ =	shalt  }
0x62: {  	_ =	shalt  }
0x63: {  	_ =	shalt  }
0x64: {  	_ =	shalt  }
0x65: {  	_ =	shalt  }
0x66: {  	_ =	shalt  }
0x67: {  	_ =	shalt  }
0x68: {  	_ =	shalt  }
0x69: {  	_ =	shalt  }
0x6a: {  	_ =	shalt  }
0x6b: {  	_ =	shalt  }
0x6c: {  	_ =	shalt  }
0x6d: {  	_ =	shalt  }
0x6e: {  	_ =	shalt  }
0x6f: {  	_ =	shalt  }
0x70: {  	_ =	shalt  }
0x71: {  	_ =	shalt  }
0x72: {  	_ =	shalt  }
0x73: {  	_ =	shalt  }
0x74: {  	_ =	shalt  }
0x75: {  	_ =	shalt  }
0x76: {  	_ =	shalt  }
0x77: {  	_ =	shalt  }
0x78: {  	_ =	shalt  }
0x79: {  	_ =	shalt  }
0x7a: {  	_ =	shalt  }
0x7b: {  	_ =	shalt  }
0x7c: {  	_ =	shalt  }
0x7d: {  	_ =	shalt  }
0x7e: {  	_ =	shalt  }
0x7f: {  	_ =	shalt  }
0x80: {  	_ =	shalt  }
0x81: {  	_ =	shalt  }
0x82: {  	_ =	shalt  }
0x83: {  	_ =	shalt  }
0x84: {  	_ =	shalt  }
0x85: {  	_ =	shalt  }
0x86: {  	_ =	shalt  }
0x87: {  	_ =	shalt  }
.Lfunc_end0:
.L_simem_size_0:
called_computation_lowered:
.L_overlay_start_0:
0x88: {  	s2 =	sld [smem:$0x3FD9]  }
0x89: {  	s3 =	sld [smem:$0x3FFE];
	_ =	sdelay $0x1  }
0x8a: {  	s1 =	srdreg.scid  }
0x8b: {  	s0 =	sand.u32 $0x1, s1  }
0x8c: {  	s15 =	sshll.u32 s0, $0xA;
	s2 =	sadd.s32 s3, s2  }
0x8d: {  	s2 =	sadd.s32 s2, s15  }
0x8e: {  	[smem:$0x3FC5] =	sst s2  }
0x8f: {  	_ = 	snop  }
0x90: {  	s2 =	sld [smem:$0x3FD0]  }
0x91: {  	s16 =	sld [smem:$0x3FC9]  }
0x92: {  	s4 =	sld [smem:$0x3FC8]  }
0x93: {  	s6 =	simm.s32 $0xA;
	s7 =	simm.s32 $0x10;
	s5 =	sld [smem:$0x3FC7]  }
0x94: {  	[smem:s7], [sflag:s6] =	dma.local [hbm:s2], $0x1  }
0x95: {  	_ =	swait.eq [sflag:s6], $0x1  }
0x96: {  	[sflag:s6] =	ssyncset.done $0x0  }
0x97: {  	s17 =	sld [smem:$0x10];
	[sflag:s6] =	ssyncadd.s32 $0xFFFFFFFF  }
0x98: {  	s18 =	sld [smem:$0x11];
	(tm) =	ssettm $0x1  }
0x99: {  	s19 =	sld [smem:$0x3FFB];
	_ =	sdelay $0x3  }
0x9a: {  	_ =	strace s19  }
0x9b: {  	s7 =	sld [smem:$0x3FFC];
	_ =	sdelay $0x3  }
0x9c: {  	_ =	strace s7  }
0x9d: {  	s7 =	sld [smem:$0x3FFD];
	_ =	sdelay $0x3  }
0x9e: {  	_ =	strace s7  }
0x9f: {  	_ =	strace $0x8FFFFFFF  }
0xa0: {  	s20 =	sld [smem:$0x3FDB];
	_ =	sdelay $0x1  }
0xa1: {  	s8 =	simm.s32 $_scs_section_size  }
0xa2: {  	s9 =	simm.s32 $_size__tile_overlayer_lowered;
	s10 =	simm.s32 $_tile_overlayer_lowered  }
0xa3: {  	s23 =	simm.s32 $0x1BFF;
	s22 =	sshll.u32 s10, $0x1;
	s7 =	sadd.s32 s8, s20  }
0xa4: {  	s11 =	simm.s32 $0x0;
	s21 =	sshll.u32 s9, $0x1;
	s9 =	sadd.s32 s22, s7  }
0xa5: {  	[timem:s11], [sflag:s23] =	dma.local [hbm:s9], s21  }
0xa6: {  	_ =	swait.ge [sflag:s23], s21  }
0xa7: {  	s8 =	ssub.s32 $0x0, s21;
	[sflag:s23] =	ssyncset.done $0x0  }
0xa8: {  	[sflag:s23] =	ssyncadd.s32 s8;
	_ =	sdelay $0x1  }
0xa9: {  	s24 =	simm.s32 $0x1B8B  }
0xaa: {  	_ =	swait.ge [sflag:s24], $0x1  }
0xab: {  	[sflag:s24] =	ssyncset.done $0x0  }
0xac: {  	s25 =	simm.s32 $0x1B8E;
	[sflag:s24] =	ssyncadd.s32 $0xFFFFFFFF  }
0xad: {  	s26 =	simm.s32 $execute0_lowered;
	[smem:$0x3FD2] =	sst s25  }
0xae: {  	s8 =	sshll.u32 s26, $0x1;
	_ =	strace $0x80000046;
	[dreg:$0x1] =	wrdreg $0xFFFFFFFF  }
0xaf: {  	s28 =	simm.s32 $_size_execute0_lowered;
	s7 =	sadd.s32 s7, s8;
	[dreg:$0x0] =	wrdreg $0x0  }
0xb0: {  	s8 =	sshll.u32 s28, $0x1;
	[dreg:$0x2] =	wrdreg s7  }
0xb1: {  	[dreg:$0x3] =	wrdreg s8  }
0xb2: {  	[dreg:$0x4] =	wrdreg $0xC0  }
0xb3: {  	_ =	task [dreg:s11], $0x5FFFF  }
0xb4: {  	[dreg:$0x1] =	wrdreg $0xFFFFFFFF  }
0xb5: {  	[dreg:$0x0] =	wrdreg $0x60  }
0xb6: {  	[dreg:$0x2] =	wrdreg s5  }
0xb7: {  	[dreg:$0x3] =	wrdreg s16  }
0xb8: {  	[dreg:$0x4] =	wrdreg s4  }
0xb9: {  	[dreg:$0x5] =	wrdreg s17  }
0xba: {  	[dreg:$0x6] =	wrdreg s18  }
0xbb: {  	[dreg:$0x7] =	wrdreg $0x0  }
0xbc: {  	[dreg:$0x8] =	wrdreg $0x9  }
0xbd: {  	_ =	task.clear_ibuf [dreg:s11], $0x9FFFF;
	_ =	strace $0x90000046  }
0xbe: {  	s29 =	simm.s32 $0x9;
	_ =	strace $0x80000048  }
0xbf: {  	_ =	swait.ge [sflag:s29], $0x1  }
0xc0: {  	[sflag:s29] =	ssyncadd.s32 $0xFFFFFFFF  }
0xc1: {  	_ =	strace $0x90000048  }
0xc2: {  	_ =	sfence  }
0xc3: {  	s30 =	sld [smem:$0x0];
	_ =	sdelay $0x2  }
0xc4: {  	s31 =	sshll.u32 s1, $0xD;
	s1 =	sshrl.u32 s1, $0x2  }
0xc5: {  	s3 =	sand.u32 $0x4000, s31;
	s1 =	sadd.s32 s1, s30  }
0xc6: {  	s0 =	sor.u32 s3, s0;
	s1 =	sshll.u32 s1, $0x11  }
0xc7: {  	s0 =	sor.u32 s1, s0  }
0xc8: {  	s0 =	sadd.s32 $0x8F2B, s0  }
0xc9: {  	[sflag:s0] =	ssyncadd.remote.s32 $0x1  }
0xca: {  	_ =	sfence.sel $0xFFFF  }
0xcb: {  	[dreg:$0x0] =	wrdreg $0xFFFFFFFF;
	(pc) =	sbr.abs _section_cstart, $3  }
0xcc: {  	[dreg:$0x1] =	wrdreg $0xFFFFFFFF  }
0xcd: {  	_ =	task.clear_ibuf [dreg:s11], $0x2FFFF;
	_ =	strace $0x9FFFFFFF  }
0xce: {  	(tm) =	ssettm $0x7FFFFFFF  }
0xcf: {  	_ =	shalt  }
tec
execute0_lowered:
.L_overlay_start_1:
0x0: {  	(tag) =	ssettag $0x1  }
0x1: {  	s1 =	rddreg [dreg:$0x0]  }
0x2: {  	s4 =	rddreg [dreg:$0x1]  }
0x3: {  	s5 =	rddreg [dreg:$0x2]  }
0x4: {  	s6 =	rddreg [dreg:$0x3]  }
0x5: {  	s7 =	rddreg [dreg:$0x4]  }
0x6: {  	s2 =	rddreg [dreg:$0x5];
	s11 =	stileid.u32  }
0x7: {  	s3 =	simm.s32 $0x0;
	s0 =	srdreg.scid;
	s16 =	simm.s32 $0x2F08  }
0x8: {  	s8 =	smul.u32 $0x600, s11;
	[smem:$0x7FF] =	sst s3;
	s0 =	sand.u32 $0x1, s0  }
0x9: {  	s17 =	sshll.u32 s11, $0x7;
	s19 =	sshll.u32 s11, $0xE;
	_ =	strace $0x80000047  }
0xa: {  	s9 =	sshll.u32 s0, $0x6;
	[dreg:$0x16] =	wrdreg s16;
	s8 =	sadd.s32 s1, s8  }
0xb: {  	s20 =	sshll.u32 s0, $0xD;
	s1 =	sadd.s32 $0x5A00, s1;
	[dreg:$0x7] =	wrdreg s8  }
0xc: {  	s18 =	sor.u32 s9, s17;
	s17 =	simm.s32 $0x2F88;
	[dreg:$0x8] =	wrdreg s1  }
0xd: {  	s21 =	sor.u32 s20, s19;
	s19 =	simm.s32 $0x3108;
	[dreg:$0x17] =	wrdreg s17  }
0xe: {  	s20 =	simm.s32 $0x3188;
	[dreg:$0x19] =	wrdreg s19  }
0xf: {  	s4 =	sadd.s32 s4, s18;
	[dreg:$0x1a] =	wrdreg s20  }
0x10: {  	s1 =	sadd.s32 s5, s18;
	[dreg:$0x9] =	wrdreg s4  }
0x11: {  	s22 =	sadd.s32 s6, s21;
	[dreg:$0xa] =	wrdreg s1  }
0x12: {  	s23 =	sor.u32 $0x800, s21;
	s18 =	simm.s32 $0x3008;
	[dreg:$0xb] =	wrdreg s22  }
0x13: {  	s8 =	sor.u32 $0x1000, s21;
	s24 =	sadd.s32 s6, s23;
	[dreg:$0x18] =	wrdreg s18  }
0x14: {  	s9 =	sor.u32 $0x1800, s21;
	s25 =	sadd.s32 s6, s8;
	[dreg:$0xc] =	wrdreg s24  }
0x15: {  	s26 =	sadd.s32 s6, s9;
	[dreg:$0xd] =	wrdreg s25  }
0x16: {  	s6 =	sadd.s32 s7, s21;
	[dreg:$0xe] =	wrdreg s26  }
0x17: {  	s10 =	smul.u32 $0xC000, s11;
	s13 =	sadd.s32 s7, s23;
	[dreg:$0xf] =	wrdreg s6  }
0x18: {  	p0 =	seq.s32 s11, $0xF;
	s14 =	sadd.s32 s7, s8;
	[dreg:$0x10] =	wrdreg s13  }
0x19: {  	s5 =	sadd.s32 $0x2D000, s2;
	s15 =	sadd.s32 s7, s9;
	[dreg:$0x11] =	wrdreg s14  }
0x1a: {  	s1 =	sshrl.u32 @p0 s5, $0x3;
	[dreg:$0x12] =	wrdreg s15  }
0x1b: {  	s12 =	sshrl.u32 s10, $0x2;
	[dreg:$0x15] =	wrdreg s1  }
0x1c: {  	s5 =	sshll.u32 @!p0 s11, $0x6;
	s21 =	simm.s32 $0x3208;
	s6 =	rddreg [dreg:$0x8]  }
0x1d: {  	s4 =	sadd.s32 s12, s2;
	s1 =	sor.u32 @!p0 $0x1C02, s5;
	[dreg:$0x1b] =	wrdreg s21  }
0x1e: {  	[dreg:$0x13] =	wrdreg s1;
	s1 =	sshrl.u32 @!p0 s4, $0x3  }
0x1f: {  	[dreg:$0x14] =	wrdreg s1  }
0x20: {  	s5 =	simm.s32 @p0 $0x2;
	s4 =	simm.s32 @p0 $0x1FC2;
	s1 =	rddreg [dreg:$0x15]  }
0x21: {  	[spmem:s1], [sflag:s4] =	dma.local @p0 [hbm:s6], $0x310  }
0x22: {  	_ =	swait.ge @p0 [sflag:s5], $0x310  }
0x23: {  	s1 =	rddreg [dreg:$0x14]  }
0x24: {  	s7 =	rddreg [dreg:$0x7];
	[sflag:s5] =	ssyncset.done @p0 $0x0  }
0x25: {  	s6 =	simm.s32 @!p0 $0x2;
	s8 =	rddreg [dreg:$0x13];
	[sflag:s5] =	ssyncadd.s32 @p0 $0xFFFFFCF0  }
0x26: {  	[spmem:s1], [sflag:s8] =	dma.local @!p0 [hbm:s7], $0x600  }
0x27: {  	_ =	swait.ge @!p0 [sflag:s6], $0x600  }
0x28: {  	[sflag:s6] =	ssyncset.done @!p0 $0x0  }
0x29: {  	s23 =	simm.s32 $0x2E88;
	s22 =	rddreg [dreg:$0x9];
	[sflag:s6] =	ssyncadd.s32 @!p0 $0xFFFFFA00  }
0x2a: {  	[tilespmem:s23], [sflag:$0x1] =	stream.linear.gather [hbm4b:s22+s3], $0x200, $0x38;
	[tilespmem:$0x1F288] =	vst v63  }
0x2b: {  	s9 =	simm.s32 $0x1;
	s25 =	simm.s32 $0x3088;
	s24 =	rddreg [dreg:$0xa]  }
0x2c: {  	[tilespmem:s25], [sflag:$0x1] =	stream.linear.gather [hbm4b:s24+s3], $0x200, $0x38;
	[tilespmem:$0x1F288] =	vst v63  }
0x2d: {  	_ =	swait.ge [sflag:s9], $0x200  }
0x2e: {  	[sflag:s9] =	ssyncset.done $0x0  }
0x2f: {  	[sflag:s9] =	ssyncadd.s32 $0xFFFFFE00  }
0x30: {  	_ =	swait.ge [sflag:s9], $0x200  }
0x31: {  	[sflag:s9] =	ssyncset.done $0x0  }
0x32: {  	[sflag:s9] =	ssyncadd.s32 $0xFFFFFE00  }
0x33: {  	s10 =	simm.s32 $0x80;
	s11 =	simm.s32 $0x3288;
	[bflag:$0x0] =	sbarrier.arrive $0xFFFF  }
0x34: {  	[tilespmem:s11], [sflag:$0x3] =	stream.indirect.gather [spmem:s2], $0x80, s23, s10, $0xb8;
	[tilespmem:$0x1F288] =	vst v63  }
0x35: {  	s8 =	simm.s32 $0x7288;
	s26 =	rddreg [dreg:$0x16]  }
0x36: {  	[tilespmem:s8], [sflag:$0x4] =	stream.indirect.gather [spmem:s2], $0x80, s26, s10, $0xb8;
	[tilespmem:$0x1F288] =	vst v63  }
0x37: {  	s13 =	simm.s32 $0xB288;
	s14 =	rddreg [dreg:$0x17]  }
0x38: {  	[tilespmem:s13], [sflag:$0x5] =	stream.indirect.gather [spmem:s2], $0x80, s14, s10, $0xb8;
	[tilespmem:$0x1F288] =	vst v63  }
0x39: {  	s12 =	simm.s32 $0xF288;
	s21 =	rddreg [dreg:$0x18]  }
0x3a: {  	[tilespmem:s12], [sflag:$0x6] =	stream.indirect.gather [spmem:s2], $0x80, s21, s10, $0xb8;
	[tilespmem:$0x1F288] =	vst v63  }
0x3b: {  	s15 =	simm.s32 $0x13288  }
0x3c: {  	[tilespmem:s15], [sflag:$0x7] =	stream.indirect.gather [spmem:s2], $0x80, s25, s10, $0xb8;
	[tilespmem:$0x1F288] =	vst v63  }
0x3d: {  	s16 =	simm.s32 $0x17288;
	s22 =	rddreg [dreg:$0x19]  }
0x3e: {  	[tilespmem:s16], [sflag:$0x8] =	stream.indirect.gather [spmem:s2], $0x80, s22, s10, $0xb8;
	[tilespmem:$0x1F288] =	vst v63  }
0x3f: {  	s17 =	simm.s32 $0x1B288;
	s18 =	simm.s32 $0x3;
	s19 =	rddreg [dreg:$0x1a]  }
0x40: {  	[tilespmem:s17], [sflag:$0x9] =	stream.indirect.gather [spmem:s2], $0x80, s19, s10, $0xb8;
	[tilespmem:$0x1F288] =	vst v63  }
0x41: {  	_ =	swait.ge [sflag:s18], $0x4000  }
0x42: {  	[sflag:s18] =	ssyncset.done $0x0  }
0x43: {  	s19 =	simm.s32 $0xA;
	s23 =	rddreg [dreg:$0xb];
	[sflag:s18] =	ssyncadd.s32 $0xFFFFC000  }
0x44: {  	[hbm4b:s23+s3] =	stream.linear.scatter [tilespmem:s11], [sflag:$0xA], $0x4000, $0x38;
	[tilespmem:$0x1F288] =	vst v63  }
0x45: {  	_ =	swait.ge [sflag:s19], $0x4000  }
0x46: {  	[sflag:s19] =	ssyncset.done $0x0  }
0x47: {  	s20 =	simm.s32 $0x4;
	s24 =	rddreg [dreg:$0x1b];
	[sflag:s19] =	ssyncadd.s32 $0xFFFFC000  }
0x48: {  	[tilespmem:s11], [sflag:$0x3] =	stream.indirect.gather [spmem:s2], $0x80, s24, s10, $0xb8;
	[tilespmem:$0x1F288] =	vst v63  }
0x49: {  	_ =	swait.ge [sflag:s20], $0x4000  }
0x4a: {  	[sflag:s20] =	ssyncset.done $0x0  }
0x4b: {  	s21 =	simm.s32 $0x5;
	s25 =	rddreg [dreg:$0xc];
	[sflag:s20] =	ssyncadd.s32 $0xFFFFC000  }
0x4c: {  	[hbm4b:s25+s3] =	stream.linear.scatter [tilespmem:s8], [sflag:$0xB], $0x4000, $0x38;
	[tilespmem:$0x1F288] =	vst v63  }
0x4d: {  	_ =	swait.ge [sflag:s21], $0x4000  }
0x4e: {  	[sflag:s21] =	ssyncset.done $0x0  }
0x4f: {  	s22 =	simm.s32 $0x6;
	s26 =	rddreg [dreg:$0xd];
	[sflag:s21] =	ssyncadd.s32 $0xFFFFC000  }
0x50: {  	[hbm4b:s26+s3] =	stream.linear.scatter [tilespmem:s13], [sflag:$0xC], $0x4000, $0x38;
	[tilespmem:$0x1F288] =	vst v63  }
0x51: {  	_ =	swait.ge [sflag:s22], $0x4000  }
0x52: {  	[sflag:s22] =	ssyncset.done $0x0  }
0x53: {  	s23 =	simm.s32 $0x7;
	s4 =	rddreg [dreg:$0xe];
	[sflag:s22] =	ssyncadd.s32 $0xFFFFC000  }
0x54: {  	[hbm4b:s4+s3] =	stream.linear.scatter [tilespmem:s12], [sflag:$0xD], $0x4000, $0x38;
	[tilespmem:$0x1F288] =	vst v63  }
0x55: {  	_ =	swait.ge [sflag:s23], $0x4000  }
0x56: {  	[sflag:s23] =	ssyncset.done $0x0  }
0x57: {  	s24 =	simm.s32 $0x8;
	s7 =	rddreg [dreg:$0xf];
	[sflag:s23] =	ssyncadd.s32 $0xFFFFC000  }
0x58: {  	[hbm4b:s7+s3] =	stream.linear.scatter [tilespmem:s15], [sflag:$0xE], $0x4000, $0x38;
	[tilespmem:$0x1F288] =	vst v63  }
0x59: {  	_ =	swait.ge [sflag:s24], $0x4000  }
0x5a: {  	[sflag:s24] =	ssyncset.done $0x0  }
0x5b: {  	s25 =	simm.s32 $0x9;
	s8 =	rddreg [dreg:$0x10];
	[sflag:s24] =	ssyncadd.s32 $0xFFFFC000  }
0x5c: {  	[hbm4b:s8+s3] =	stream.linear.scatter [tilespmem:s16], [sflag:$0xF], $0x4000, $0x38;
	[tilespmem:$0x1F288] =	vst v63  }
0x5d: {  	_ =	swait.ge [sflag:s25], $0x4000  }
0x5e: {  	[sflag:s25] =	ssyncset.done $0x0  }
0x5f: {  	s12 =	rddreg [dreg:$0x11];
	[sflag:s25] =	ssyncadd.s32 $0xFFFFC000  }
0x60: {  	[hbm4b:s12+s3] =	stream.linear.scatter [tilespmem:s17], [sflag:$0x10], $0x4000, $0x38;
	[tilespmem:$0x1F288] =	vst v63  }
0x61: {  	_ =	swait.ge [sflag:s18], $0x4000  }
0x62: {  	[sflag:s18] =	ssyncset.done $0x0  }
0x63: {  	s13 =	rddreg [dreg:$0x12];
	[sflag:s18] =	ssyncadd.s32 $0xFFFFC000  }
0x64: {  	[hbm4b:s13+s3] =	stream.linear.scatter [tilespmem:s11], [sflag:$0xA], $0x4000, $0x38;
	[tilespmem:$0x1F288] =	vst v63  }
0x65: {  	_ =	swait.ge [sflag:s19], $0x4000  }
0x66: {  	[sflag:s19] =	ssyncset.done $0x0  }
0x67: {  	s26 =	simm.s32 $0xB;
	[sflag:s19] =	ssyncadd.s32 $0xFFFFC000  }
0x68: {  	_ =	swait.ge [sflag:s26], $0x4000  }
0x69: {  	[sflag:s26] =	ssyncset.done $0x0  }
0x6a: {  	s28 =	simm.s32 $0xC;
	[sflag:s26] =	ssyncadd.s32 $0xFFFFC000  }
0x6b: {  	s0 =	ssub.s32 $0x2, s0;
	_ =	swait.ge [sflag:s28], $0x4000  }
0x6c: {  	s14 =	sshrl.u32 s0, $0x1;
	[sflag:s28] =	ssyncset.done $0x0  }
0x6d: {  	s29 =	simm.s32 $0xD;
	s0 =	ssub.s32 s0, s14;
	[sflag:s28] =	ssyncadd.s32 $0xFFFFC000  }
0x6e: {  	s0 =	smax.u32 s0, $0x1;
	_ =	swait.ge [sflag:s29], $0x4000  }
0x6f: {  	s31 =	sadd.s32 $0xFFFFFFFF, s0;
	[sflag:s29] =	ssyncset.done $0x0  }
0x70: {  	s30 =	simm.s32 $0xE;
	p1 =	sne.s32 s31, $0x0;
	[sflag:s29] =	ssyncadd.s32 $0xFFFFC000  }
.Ltmp0:
0x71: {  	_ =	swait.ge [sflag:s30], $0x4000;
	(pc) =	sbr.rel @!p1 .LBB2_3-.Ltmp0, $4  }
0x72: {  	[sflag:s30] =	ssyncset.done $0x0  }
0x73: {  	s0 =	simm.s32 $0xF;
	[sflag:s30] =	ssyncadd.s32 $0xFFFFC000  }
0x74: {  	_ =	swait.ge [sflag:s0], $0x4000  }
0x75: {  	s1 =	simm.s32 $0x10;
	[sflag:s0] =	ssyncset.done $0x0  }
0x76: {  	s12 =	simm.s32 $0x3088;
	s13 =	simm.s32 $0x7288;
	s14 =	simm.s32 $0xB288  }
.LBB2_2:
0x77: {  	[sflag:s0] =	ssyncadd.s32 $0xFFFFC000  }
0x78: {  	_ =	swait.ge [sflag:s1], $0x4000  }
0x79: {  	s4 =	rddreg [dreg:$0x15];
	[sflag:s1] =	ssyncset.done $0x0  }
0x7a: {  	s8 =	simm.s32 @p0 $0x1FC2;
	s7 =	rddreg [dreg:$0x8];
	[sflag:s1] =	ssyncadd.s32 $0xFFFFC000  }
0x7b: {  	[spmem:s4], [sflag:s8] =	dma.local @p0 [hbm:s7], $0x310  }
0x7c: {  	_ =	swait.ge @p0 [sflag:s5], $0x310  }
0x7d: {  	s4 =	rddreg [dreg:$0x14]  }
0x7e: {  	[sflag:s5] =	ssyncset.done @p0 $0x0;
	s7 =	rddreg [dreg:$0x7]  }
0x7f: {  	s8 =	rddreg [dreg:$0x13];
	[sflag:s5] =	ssyncadd.s32 @p0 $0xFFFFFCF0  }
0x80: {  	[spmem:s4], [sflag:s8] =	dma.local @!p0 [hbm:s7], $0x600  }
0x81: {  	_ =	swait.ge @!p0 [sflag:s6], $0x600  }
0x82: {  	[sflag:s6] =	ssyncset.done @!p0 $0x0  }
0x83: {  	s8 =	simm.s32 $0x2E88;
	s4 =	rddreg [dreg:$0x9];
	[sflag:s6] =	ssyncadd.s32 @!p0 $0xFFFFFA00  }
0x84: {  	[tilespmem:s8], [sflag:$0x1] =	stream.linear.gather [hbm4b:s4+s3], $0x200, $0x38;
	[tilespmem:$0x1F288] =	vst v63  }
0x85: {  	s7 =	rddreg [dreg:$0xa]  }
0x86: {  	[tilespmem:s12], [sflag:$0x1] =	stream.linear.gather [hbm4b:s7+s3], $0x200, $0x38;
	[tilespmem:$0x1F288] =	vst v63  }
0x87: {  	_ =	swait.ge [sflag:s9], $0x200  }
0x88: {  	[sflag:s9] =	ssyncset.done $0x0  }
0x89: {  	[sflag:s9] =	ssyncadd.s32 $0xFFFFFE00  }
0x8a: {  	_ =	swait.ge [sflag:s9], $0x200  }
0x8b: {  	[sflag:s9] =	ssyncset.done $0x0  }
0x8c: {  	[sflag:s9] =	ssyncadd.s32 $0xFFFFFE00  }
0x8d: {  	[bflag:$0x0] =	sbarrier.arrive $0xFFFF  }
0x8e: {  	[tilespmem:s11], [sflag:$0x3] =	stream.indirect.gather [spmem:s2], $0x80, s8, s10, $0xb8;
	[tilespmem:$0x1F288] =	vst v63  }
0x8f: {  	s4 =	rddreg [dreg:$0x16]  }
0x90: {  	[tilespmem:s13], [sflag:$0x4] =	stream.indirect.gather [spmem:s2], $0x80, s4, s10, $0xb8;
	[tilespmem:$0x1F288] =	vst v63  }
0x91: {  	s8 =	rddreg [dreg:$0x17]  }
0x92: {  	[tilespmem:s14], [sflag:$0x5] =	stream.indirect.gather [spmem:s2], $0x80, s8, s10, $0xb8;
	[tilespmem:$0x1F288] =	vst v63  }
0x93: {  	s7 =	rddreg [dreg:$0x18];
	s8 =	simm.s32 $0xF288  }
0x94: {  	[tilespmem:s8], [sflag:$0x6] =	stream.indirect.gather [spmem:s2], $0x80, s7, s10, $0xb8;
	[tilespmem:$0x1F288] =	vst v63  }
0x95: {  	_ = 	snop  }
0x96: {  	[tilespmem:s15], [sflag:$0x7] =	stream.indirect.gather [spmem:s2], $0x80, s12, s10, $0xb8;
	[tilespmem:$0x1F288] =	vst v63  }
0x97: {  	s4 =	rddreg [dreg:$0x19]  }
0x98: {  	[tilespmem:s16], [sflag:$0x8] =	stream.indirect.gather [spmem:s2], $0x80, s4, s10, $0xb8;
	[tilespmem:$0x1F288] =	vst v63  }
0x99: {  	s7 =	rddreg [dreg:$0x1a]  }
0x9a: {  	[tilespmem:s17], [sflag:$0x9] =	stream.indirect.gather [spmem:s2], $0x80, s7, s10, $0xb8;
	[tilespmem:$0x1F288] =	vst v63  }
0x9b: {  	_ =	swait.ge [sflag:s18], $0x4000  }
0x9c: {  	[sflag:s18] =	ssyncset.done $0x0  }
0x9d: {  	s7 =	rddreg [dreg:$0xb];
	[sflag:s18] =	ssyncadd.s32 $0xFFFFC000  }
0x9e: {  	[hbm4b:s7+s3] =	stream.linear.scatter [tilespmem:s11], [sflag:$0xA], $0x4000, $0x38;
	[tilespmem:$0x1F288] =	vst v63  }
0x9f: {  	_ =	swait.ge [sflag:s19], $0x4000  }
0xa0: {  	[sflag:s19] =	ssyncset.done $0x0  }
0xa1: {  	s7 =	rddreg [dreg:$0x1b];
	[sflag:s19] =	ssyncadd.s32 $0xFFFFC000  }
0xa2: {  	[tilespmem:s11], [sflag:$0x3] =	stream.indirect.gather [spmem:s2], $0x80, s7, s10, $0xb8;
	[tilespmem:$0x1F288] =	vst v63  }
0xa3: {  	_ =	swait.ge [sflag:s20], $0x4000  }
0xa4: {  	[sflag:s20] =	ssyncset.done $0x0  }
0xa5: {  	s7 =	rddreg [dreg:$0xc];
	[sflag:s20] =	ssyncadd.s32 $0xFFFFC000  }
0xa6: {  	[hbm4b:s7+s3] =	stream.linear.scatter [tilespmem:s13], [sflag:$0xB], $0x4000, $0x38;
	[tilespmem:$0x1F288] =	vst v63  }
0xa7: {  	_ =	swait.ge [sflag:s21], $0x4000  }
0xa8: {  	[sflag:s21] =	ssyncset.done $0x0  }
0xa9: {  	s7 =	rddreg [dreg:$0xd];
	[sflag:s21] =	ssyncadd.s32 $0xFFFFC000  }
0xaa: {  	[hbm4b:s7+s3] =	stream.linear.scatter [tilespmem:s14], [sflag:$0xC], $0x4000, $0x38;
	[tilespmem:$0x1F288] =	vst v63  }
0xab: {  	_ =	swait.ge [sflag:s22], $0x4000  }
0xac: {  	[sflag:s22] =	ssyncset.done $0x0  }
0xad: {  	s7 =	rddreg [dreg:$0xe];
	[sflag:s22] =	ssyncadd.s32 $0xFFFFC000  }
0xae: {  	[hbm4b:s7+s3] =	stream.linear.scatter [tilespmem:s8], [sflag:$0xD], $0x4000, $0x38;
	[tilespmem:$0x1F288] =	vst v63  }
0xaf: {  	_ =	swait.ge [sflag:s23], $0x4000  }
0xb0: {  	[sflag:s23] =	ssyncset.done $0x0  }
0xb1: {  	s7 =	rddreg [dreg:$0xf];
	[sflag:s23] =	ssyncadd.s32 $0xFFFFC000  }
0xb2: {  	[hbm4b:s7+s3] =	stream.linear.scatter [tilespmem:s15], [sflag:$0xE], $0x4000, $0x38;
	[tilespmem:$0x1F288] =	vst v63  }
0xb3: {  	_ =	swait.ge [sflag:s24], $0x4000  }
0xb4: {  	[sflag:s24] =	ssyncset.done $0x0  }
0xb5: {  	s8 =	rddreg [dreg:$0x10];
	[sflag:s24] =	ssyncadd.s32 $0xFFFFC000  }
0xb6: {  	[hbm4b:s8+s3] =	stream.linear.scatter [tilespmem:s16], [sflag:$0xF], $0x4000, $0x38;
	[tilespmem:$0x1F288] =	vst v63  }
0xb7: {  	_ =	swait.ge [sflag:s25], $0x4000  }
0xb8: {  	[sflag:s25] =	ssyncset.done $0x0  }
0xb9: {  	s7 =	rddreg [dreg:$0x11];
	[sflag:s25] =	ssyncadd.s32 $0xFFFFC000  }
0xba: {  	[hbm4b:s7+s3] =	stream.linear.scatter [tilespmem:s17], [sflag:$0x10], $0x4000, $0x38;
	[tilespmem:$0x1F288] =	vst v63  }
0xbb: {  	_ =	swait.ge [sflag:s18], $0x4000  }
0xbc: {  	[sflag:s18] =	ssyncset.done $0x0  }
0xbd: {  	s8 =	rddreg [dreg:$0x12];
	[sflag:s18] =	ssyncadd.s32 $0xFFFFC000  }
0xbe: {  	[hbm4b:s8+s3] =	stream.linear.scatter [tilespmem:s11], [sflag:$0xA], $0x4000, $0x38;
	[tilespmem:$0x1F288] =	vst v63  }
0xbf: {  	_ =	swait.ge [sflag:s19], $0x4000  }
0xc0: {  	[sflag:s19] =	ssyncset.done $0x0  }
0xc1: {  	[sflag:s19] =	ssyncadd.s32 $0xFFFFC000  }
0xc2: {  	_ =	swait.ge [sflag:s26], $0x4000  }
0xc3: {  	[sflag:s26] =	ssyncset.done $0x0  }
0xc4: {  	[sflag:s26] =	ssyncadd.s32 $0xFFFFC000  }
0xc5: {  	_ =	swait.ge [sflag:s28], $0x4000  }
0xc6: {  	[sflag:s28] =	ssyncset.done $0x0  }
0xc7: {  	[sflag:s28] =	ssyncadd.s32 $0xFFFFC000  }
0xc8: {  	_ =	swait.ge [sflag:s29], $0x4000  }
0xc9: {  	s31 =	sadd.s32 $0xFFFFFFFF, s31;
	[sflag:s29] =	ssyncset.done $0x0  }
0xca: {  	p1 =	sne.s32 s31, $0x0;
	[sflag:s29] =	ssyncadd.s32 $0xFFFFC000  }
.Ltmp1:
0xcb: {  	_ =	swait.ge [sflag:s30], $0x4000;
	(pc) =	sbr.rel @p1 .LBB2_2-.Ltmp1, $4  }
0xcc: {  	[sflag:s30] =	ssyncset.done $0x0  }
0xcd: {  	[sflag:s30] =	ssyncadd.s32 $0xFFFFC000  }
0xce: {  	_ =	swait.ge [sflag:s0], $0x4000  }
0xcf: {  	[sflag:s0] =	ssyncset.done $0x0  }
.LBB2_3:
0xd0: {  	[sflag:s0] =	ssyncadd.s32 $0xFFFFC000  }
0xd1: {  	_ =	swait.ge [sflag:s1], $0x4000  }
0xd2: {  	[sflag:s1] =	ssyncset.done $0x0  }
0xd3: {  	[sflag:s1] =	ssyncadd.s32 $0xFFFFC000  }
0xd4: {  	_ =	sfence.sel $0x180000  }
0xd5: {  	[bflag:$0x0] =	sbarrier.arrive $0xFFFF  }
0xd6: {  	_ =	strace $0x90000047  }
0xd7: {  	s31 =	stileid.u32;
	[bflag:$0x2] =	sbarrier.arrive $0xFFFF  }
0xd8: {  	p0 =	sne.s32 s31, $0x0;
	s0 =	rddreg [dreg:$0x6]  }
0xd9: {  	s0 =	sadd.s32 @!p0 $0x100000, s0  }
0xda: {  	[sflag:s0] =	ssyncadd.tile.s32 @!p0 $0x1;
	_ =	shalt  }
.Lfunc_end2:
_tile_overlayer_lowered:
.L_overlay_start_2:
0xdb: {  	(tag) =	ssettag $0x2  }
0xdc: {  	s0 =	rddreg [dreg:$0x0];
	s2 =	stileid.u32  }
0xdd: {  	s1 =	rddreg [dreg:$0x1];
	p0 =	sne.s32 s2, $0x0  }
0xde: {  	s3 =	rddreg [dreg:$0x2];
	[bflag:$0x3] =	sbarrier.arrive $0xFFFF;
	s2 =	simm.s32 @!p0 $0x1C11  }
0xdf: {  	[timem:s3], [sflag:s2] =	dma.local @!p0 [hbm:s0], s1  }
0xe0: {  	s0 =	simm.s32 @!p0 $0x11  }
0xe1: {  	_ =	swait.ge @!p0 [sflag:s0], s1  }
0xe2: {  	s1 =	ssub.s32 @!p0 $0x0, s1;
	[sflag:s0] =	ssyncset.done @!p0 $0x0  }
0xe3: {  	[sflag:s0] =	ssyncadd.s32 @!p0 s1  }
0xe4: {  	[bflag:$0x3] =	sbarrier.arrive $0xFFFF  }
0xe5: {  	_ =	shalt  }

</sc_bundles>
